<compile_context>
chip_gen: v7x
topology: tpu7x:2x2x1
jax: 0.10.2.dev20260603
libtpu: 0.0.44.dev20260713+nightly
codegen_flags: <defaults>
</compile_context>

<pallas_src>
import functools

import jax
import jax.numpy as jnp
from jax import lax
from jax.experimental import pallas as pl
from jax.experimental.pallas import tpu as pltpu
from jax.experimental.pallas import tpu_sc as plsc

_EPS = 1e-6
_NB = 8
_NC = _NB + 2
_L = 16


def _make_sc_hist(row_start, nrows, C, nworkers):
    rows_w = nrows // nworkers
    CHUNK = 16
    nchunks = rows_w // CHUNK
    nsteps = nchunks // 2
    ngroups = C // _L
    acc_len = _NC * C

    mesh = plsc.VectorSubcoreMesh(core_axis_name="c", subcore_axis_name="s")

    def body(x_hbm, sb_hbm, out_hbm, xb0, xb1, sb_v, acc_v, sem0, sem1):
        ncores = 2
        wid = lax.axis_index("s") * ncores + lax.axis_index("c")
        row0 = row_start + wid * rows_w

        def chunk_copy(i, buf, sem):
            return pltpu.make_async_copy(
                x_hbm.at[pl.ds(row0 + i * CHUNK, CHUNK)], buf, sem)

        chunk_copy(0, xb0, sem0).start()
        chunk_copy(1, xb1, sem1).start()
        pltpu.sync_copy(sb_hbm, sb_v)

        zeros = jnp.zeros((_L,), jnp.float32)

        @plsc.parallel_loop(0, acc_len // _L)
        def zero_body(i):
            acc_v[pl.ds(i * _L, _L)] = zeros

        lane = lax.iota(jnp.int32, _L)
        ones = jnp.full((_L,), 1.0, jnp.float32)

        def compute(buf):
            @plsc.parallel_loop(0, ngroups)
            def g_body(g):
                col0 = g * _L
                sv = sb_v[pl.ds(col0, _L)]
                bv = sb_v[pl.ds(C + col0, _L)]
                colv = col0 + lane
                fis = []
                for r in range(CHUNK):
                    v = buf[r, pl.ds(col0, _L)]
                    u = v * sv + bv
                    u = jnp.minimum(jnp.maximum(u, 0.0), 9.0)
                    fis.append(u.astype(jnp.int32) * C + colv)
                for fi in fis:
                    plsc.addupdate_scatter(acc_v, [fi], ones)

        def step(k, _):
            c0 = 2 * k
            chunk_copy(c0, xb0, sem0).wait()
            compute(xb0)

            @pl.when(k < nsteps - 1)
            def _start0():
                chunk_copy(c0 + 2, xb0, sem0).start()

            chunk_copy(c0 + 1, xb1, sem1).wait()
            compute(xb1)

            @pl.when(k < nsteps - 1)
            def _start1():
                chunk_copy(c0 + 3, xb1, sem1).start()

            return _

        lax.fori_loop(0, nsteps, step, None)

        pltpu.sync_copy(acc_v, out_hbm.at[pl.ds(wid * acc_len, acc_len)])

    return pl.kernel(
        body,
        out_type=jax.ShapeDtypeStruct((nworkers * acc_len,), jnp.float32),
        mesh=mesh,
        compiler_params=pltpu.CompilerParams(
            needs_layout_passes=False, use_tc_tiling_on_sc=True),
        scratch_types=[
            pltpu.VMEM((CHUNK, C), jnp.float32),
            pltpu.VMEM((CHUNK, C), jnp.float32),
            pltpu.VMEM((2 * C,), jnp.float32),
            pltpu.VMEM((acc_len,), jnp.float32),
            pltpu.SemaphoreType.DMA,
            pltpu.SemaphoreType.DMA,
        ],
    )


def _tc_copy_hist(x, thr, nhist_blk, blk):
    B, C = x.shape
    nblk = B // blk
    NSLOT = 6

    def body(x_hbm, thr_ref, o_hbm, cum_ref, bufs, sin, sout):
        i = pl.program_id(0)
        s = lax.rem(i, NSLOT)

        def cin(b, sl):
            return pltpu.make_async_copy(
                x_hbm.at[pl.ds(b * blk, blk)], bufs.at[sl], sin.at[sl])

        def cout(b, sl):
            return pltpu.make_async_copy(
                bufs.at[sl], o_hbm.at[pl.ds(b * blk, blk)], sout.at[sl])

        @pl.when(i == 0)
        def _prologue():
            cum_ref[...] = jnp.zeros_like(cum_ref)
            for k in range(NSLOT - 2):
                cin(k, k).start()

        cin(i, s).wait()

        @pl.when(i < nhist_blk)
        def _hist():
            xb = bufs[s]
            for j in range(_NB + 1):
                t = thr_ref[j, :][None, :]
                cum_ref[j, :] += jnp.sum(jnp.where(xb > t, 1.0, 0.0), axis=0)

        cout(i, s).start()

        s3 = lax.rem(i + NSLOT - 2, NSLOT)

        @pl.when(i + NSLOT - 2 < nblk)
        def _prefetch():
            @pl.when(i >= 2)
            def _drain():
                cout(i - 2, s3).wait()

            cin(i + NSLOT - 2, s3).start()

        @pl.when(i == nblk - 1)
        def _epilogue():
            for b in range(nblk - NSLOT, nblk):
                cout(b, b % NSLOT).wait()

    return pl.pallas_call(
        body,
        grid=(nblk,),
        in_specs=[
            pl.BlockSpec(memory_space=pltpu.HBM),
            pl.BlockSpec((16, C), lambda i: (0, 0)),
        ],
        out_specs=[
            pl.BlockSpec(memory_space=pltpu.HBM),
            pl.BlockSpec((16, C), lambda i: (0, 0)),
        ],
        out_shape=[
            jax.ShapeDtypeStruct((B, C), x.dtype),
            jax.ShapeDtypeStruct((16, C), jnp.float32),
        ],
        scratch_shapes=[
            pltpu.VMEM((NSLOT, blk, C), jnp.float32),
            pltpu.SemaphoreType.DMA((NSLOT,)),
            pltpu.SemaphoreType.DMA((NSLOT,)),
        ],
    )(x, thr)


def kernel(x, mins, maxs, bin_counts, bin_edges, feature_ranges):
    B, C = x.shape
    info = plsc.get_sparse_core_info()
    nworkers = info.num_cores * info.num_subcores

    all_zero = jnp.all(bin_counts == 0.0)

    maxs2 = maxs + _EPS
    fr = maxs2 - mins
    mxs = maxs2 / fr
    mns = mins / fr
    span = mxs - mns
    scale_a = 8.0 / (fr * span)
    bias_a = 1.0 - 8.0 * mns / span

    inner = bin_edges[:, 1:-1]
    span_e = inner[:, -1] - inner[:, 0]
    safe = jnp.where(span_e != 0.0, span_e, 1.0)
    frq = feature_ranges[:, 0]
    scale_b = 8.0 / jnp.where(frq != 0.0, frq, 1.0) / safe
    bias_b = 1.0 - 8.0 * inner[:, 0] / safe

    scale = jnp.where(all_zero, scale_a, scale_b)
    bias = jnp.where(all_zero, bias_a, bias_b)
    sb = jnp.concatenate([scale, bias]).astype(jnp.float32)

    lin = jnp.linspace(0.0, 1.0, _NB + 1, dtype=jnp.float32)
    inner_a = mns[:, None] + span[:, None] * lin[None, :]
    thr_a = inner_a * fr[:, None]
    thr_b = inner * feature_ranges
    thr9 = jnp.where(all_zero, thr_a, thr_b).T.astype(jnp.float32)
    thr = jnp.concatenate([thr9, jnp.zeros((16 - (_NB + 1), C), jnp.float32)])

    blk = 256
    nhist_blk = 24
    tc_rows = nhist_blk * blk

    hist = _make_sc_hist(tc_rows, B - tc_rows, C, nworkers)
    parts = hist(x, sb)
    sc_counts = parts.reshape(-1, _NC, C).sum(axis=0).T

    x_out, tc_cum16 = _tc_copy_hist(x, thr, nhist_blk, blk)
    cum = tc_cum16[:_NB + 1]
    tc_counts = jnp.concatenate(
        [(tc_rows - cum[0])[None], cum[:-1] - cum[1:], cum[_NB][None]],
        axis=0).T

    return (x_out, bin_counts + sc_counts + tc_counts)

# --- scband reference (transcript-rebuilt; emitter-appended) ---
"""Pipeline reference for scband-bin-stats-27401891348536 (READ-ONLY COPY).

The authoritative reference and input builder live on the scoring server;
editing this copy changes nothing except your own understanding.
"""

import jax, jax.numpy as jnp
import numpy as np

EPS = 1e-6
N_BINS = 8
N_BIN_EDGES = N_BINS + 1  # 9


def setup_inputs(seed: int = 0) -> dict:
    key = jax.random.key(seed)
    B, C = 16384, 2048
    x = jax.random.uniform(key, (B, C), dtype=jnp.float32)
    mins = jnp.zeros((C,), dtype=jnp.float32)          # running mins buffer (already tracked)
    maxs = jnp.ones((C,), dtype=jnp.float32)           # running maxs buffer (already tracked)
    bin_counts = jnp.zeros((C, N_BINS + 2), dtype=jnp.float32)
    bin_edges = jnp.zeros((C, N_BIN_EDGES + 2), dtype=jnp.float32)
    feature_ranges = jnp.ones((C, 1), dtype=jnp.float32)
    return {"x": x, "mins": mins, "maxs": maxs, "bin_counts": bin_counts,
            "bin_edges": bin_edges, "feature_ranges": feature_ranges}


def reference(x, mins, maxs, bin_counts, bin_edges, feature_ranges):
    # BinStats.forward with track_stats=True, track_range=False, norm_range=True.
    # update_bins(x): init_bins() if all bin_counts are zero, then accumulate batch counts.
    all_zero = jnp.all(bin_counts == 0.0)

    # --- init_bins ---
    maxs2 = maxs + EPS
    fr = maxs2 - mins                      # feature_ranges (norm_range=True)
    mxs = maxs2 / fr
    mns = mins / fr
    lin = jnp.linspace(0.0, 1.0, N_BIN_EDGES, dtype=jnp.float32)
    b_edges = mns[:, None] + (mxs - mns)[:, None] * lin[None, :]
    is_relu = jnp.allclose(mns, jnp.zeros_like(mns))
    exts = 0.25 * (mxs - mns)
    r_exts = (mxs + exts)[:, None]
    l_exts = jnp.where(is_relu, mns - 2.0 * exts, mns - exts)[:, None]
    new_edges = jnp.concatenate([l_exts, b_edges, r_exts], axis=1)

    edges = jnp.where(all_zero, new_edges, bin_edges)
    fr_used = jnp.where(all_zero, fr[:, None], feature_ranges)

    # --- _get_batch_counts ---
    xt = x.T                                # [C, B]  (transpose(0,1).flatten(1) for 2D input)
    xn = xt / fr_used                        # _norm_inputs
    inner = edges[:, 1:-1]                   # [C, n_bin_edges]
    bin_indices = jax.vmap(lambda a, v: jnp.searchsorted(a, v))(inner, xn)  # left, like torch default
    counts = jax.vmap(lambda r: jnp.bincount(r, length=N_BINS + 2))(bin_indices).astype(jnp.float32)

    new_counts = bin_counts + counts
    # forward returns x unchanged; updated buffers returned functionally
    return (x, new_counts)

if __name__ == "__main__":
    import jax
    _d = setup_inputs()
    print(jax.jit(kernel)(*tuple(_d.values())))

</pallas_src>

<mosaic_0001>
#map = affine_map<(d0, d1) -> (0, 0)>
#map1 = affine_map<(d0, d1) -> (0)>
module attributes {stable_mosaic.version = 14 : i64} {
  func.func @body(%arg0: i32, %arg1: i32, %arg2: memref<16384x2048xf32, #tpu.memory_space<hbm>>, %arg3: memref<4096xf32, #tpu.memory_space<hbm>>, %arg4: memref<655360xf32, #tpu.memory_space<hbm>>, %arg5: memref<16x2048xf32, #tpu.memory_space<vmem>>, %arg6: memref<16x2048xf32, #tpu.memory_space<vmem>>, %arg7: memref<4096xf32, #tpu.memory_space<vmem>>, %arg8: memref<20480xf32, #tpu.memory_space<vmem>>, %arg9: memref<!tpu.dma_semaphore, #tpu.memory_space<semaphore_mem>>, %arg10: memref<!tpu.dma_semaphore, #tpu.memory_space<semaphore_mem>>) attributes {dimension_semantics = [#tpu.dimension_semantics<core_parallel>, #tpu.dimension_semantics<subcore_parallel>], iteration_bounds = array<i64: 2, 16>, scalar_prefetch = 0 : i64, scratch_operands = 6 : i64, tpu.core_type = #tpu.core_type<sc_vector_subcore>, window_params = [{transform_indices = #map}, {transform_indices = #map1}, {transform_indices = #map1}]} {
    %mul3A = arith.constant 2 : i32
    %mul3A_0 = arith.muli %arg1, %mul3A : i32
    %add3A = arith.addi %mul3A_0, %arg0 : i32
    %mul3A_1 = arith.constant 320 : i32
    %mul3A_2 = arith.muli %add3A, %mul3A_1 : i32
    %add3A_3 = arith.constant 6144 : i32
    %add3A_4 = arith.addi %add3A_3, %mul3A_2 : i32
    %add3A_5 = arith.constant 0 : i32
    %add3A_6 = arith.addi %add3A_4, %add3A_5 : i32
    %dma_start3A = arith.constant 0 : i32
    %dma_start3A_7 = tpu.memref_slice %arg2[%add3A_6, %dma_start3A] : memref<16384x2048xf32, #tpu.memory_space<hbm>> -> memref<16x2048xf32, #tpu.memory_space<hbm>>
    %dma_start3A_8 = arith.constant 0 : i32
    %dma_start3A_9 = tpu.memref_slice %arg2[%add3A_6, %dma_start3A_8] : memref<16384x2048xf32, #tpu.memory_space<hbm>> -> memref<16x2048xf32, #tpu.memory_space<hbm>>
    tpu.enqueue_dma source(%dma_start3A_9 : memref<16x2048xf32, #tpu.memory_space<hbm>>) target(%arg5 : memref<16x2048xf32, #tpu.memory_space<vmem>>) target_semaphore(%arg9 : memref<!tpu.dma_semaphore, #tpu.memory_space<semaphore_mem>>)
    %add3A_10 = arith.constant 16 : i32
    %add3A_11 = arith.addi %add3A_4, %add3A_10 : i32
    %dma_start3A_12 = arith.constant 0 : i32
    %dma_start3A_13 = tpu.memref_slice %arg2[%add3A_11, %dma_start3A_12] : memref<16384x2048xf32, #tpu.memory_space<hbm>> -> memref<16x2048xf32, #tpu.memory_space<hbm>>
    %dma_start3A_14 = arith.constant 0 : i32
    %dma_start3A_15 = tpu.memref_slice %arg2[%add3A_11, %dma_start3A_14] : memref<16384x2048xf32, #tpu.memory_space<hbm>> -> memref<16x2048xf32, #tpu.memory_space<hbm>>
    tpu.enqueue_dma source(%dma_start3A_15 : memref<16x2048xf32, #tpu.memory_space<hbm>>) target(%arg6 : memref<16x2048xf32, #tpu.memory_space<vmem>>) target_semaphore(%arg10 : memref<!tpu.dma_semaphore, #tpu.memory_space<semaphore_mem>>)
    "tpu.region"() ({
      %run_scoped3A = tpu.sem_alloc : memref<!tpu.dma_semaphore, #tpu.memory_space<semaphore_mem>>
      tpu.enqueue_dma source(%arg3 : memref<4096xf32, #tpu.memory_space<hbm>>) target(%arg7 : memref<4096xf32, #tpu.memory_space<vmem>>) target_semaphore(%run_scoped3A : memref<!tpu.dma_semaphore, #tpu.memory_space<semaphore_mem>>)
      tpu.wait_dma2 semaphore(%run_scoped3A : memref<!tpu.dma_semaphore, #tpu.memory_space<semaphore_mem>>) src(%arg3 : memref<4096xf32, #tpu.memory_space<hbm>>) dst(%arg7 : memref<4096xf32, #tpu.memory_space<vmem>>)
      tpu.yield
    }) : () -> ()
    %broadcast_in_dim3A = arith.constant 0.000000e+00 : f32
    %broadcast_in_dim3A_16 = vector.broadcast %broadcast_in_dim3A : f32 to vector<16xf32>
    %parallel_loop3A = arith.constant 0 : i32
    %parallel_loop3A_17 = arith.constant 1280 : i32
    %parallel_loop3A_18 = arith.constant 1 : i32
    scf.for %parallel_loop3A_27 = %parallel_loop3A to %parallel_loop3A_17 step %parallel_loop3A_18  : i32 {
      %parallel_loop3A_28 = arith.constant 16 : i32
      %parallel_loop3A_29 = arith.muli %parallel_loop3A_27, %parallel_loop3A_28 : i32
      %parallel_loop3A_30 = arith.index_cast %parallel_loop3A_29 : i32 to index
      %parallel_loop3A_31 = tpu.vector_load %arg8[%parallel_loop3A_30] {strides = array<i32>} : memref<20480xf32, #tpu.memory_space<vmem>>, vector<16xf32>,
      tpu.vector_store %arg8[%parallel_loop3A_30], %broadcast_in_dim3A_16 {strides = array<i32>} : memref<20480xf32, #tpu.memory_space<vmem>>, vector<16xf32>,
    } {sc.loop_unroll_factor = 1 : i64, sc.parallel_access}
    %iota3A = tpu.iota {dimensions = array<i32: 0>} : vector<16xi32>
    %broadcast_in_dim3A_19 = arith.constant 1.000000e+00 : f32
    %broadcast_in_dim3A_20 = vector.broadcast %broadcast_in_dim3A_19 : f32 to vector<16xf32>
    %scan3A = arith.constant 0 : i32
    %scan3A_21 = arith.constant 10 : i32
    %scan3A_22 = arith.addi %scan3A, %scan3A_21 : i32
    %scan3A_23 = arith.constant 1 : i32
    scf.for %scan3A_27 = %scan3A to %scan3A_22 step %scan3A_23  : i32 {
      %mul3A_28 = arith.constant 2 : i32
      %mul3A_29 = arith.muli %mul3A_28, %scan3A_27 : i32
      %mul3A_30 = arith.constant 16 : i32
      %mul3A_31 = arith.muli %mul3A_29, %mul3A_30 : i32
      %add3A_32 = arith.addi %add3A_4, %mul3A_31 : i32
      %dma_wait3A = arith.constant 0 : i32
      %dma_wait3A_33 = tpu.memref_slice %arg2[%add3A_32, %dma_wait3A] : memref<16384x2048xf32, #tpu.memory_space<hbm>> -> memref<16x2048xf32, #tpu.memory_space<hbm>>
      %dma_wait3A_34 = arith.constant 0 : i32
      %dma_wait3A_35 = tpu.memref_slice %arg2[%add3A_32, %dma_wait3A_34] : memref<16384x2048xf32, #tpu.memory_space<hbm>> -> memref<16x2048xf32, #tpu.memory_space<hbm>>
      tpu.wait_dma2 semaphore(%arg9 : memref<!tpu.dma_semaphore, #tpu.memory_space<semaphore_mem>>) src(%dma_wait3A_35 : memref<16x2048xf32, #tpu.memory_space<hbm>>) dst(%arg5 : memref<16x2048xf32, #tpu.memory_space<vmem>>)
      %parallel_loop3A_36 = arith.constant 0 : i32
      %parallel_loop3A_37 = arith.constant 128 : i32
      %parallel_loop3A_38 = arith.constant 1 : i32
      scf.for %parallel_loop3A_58 = %parallel_loop3A_36 to %parallel_loop3A_37 step %parallel_loop3A_38  : i32 {
        %parallel_loop3A_59 = arith.constant 16 : i32
        %parallel_loop3A_60 = arith.muli %parallel_loop3A_58, %parallel_loop3A_59 : i32
        %parallel_loop3A_61 = arith.index_cast %parallel_loop3A_60 : i32 to index
        %parallel_loop3A_62 = tpu.vector_load %arg7[%parallel_loop3A_61] {strides = array<i32>} : memref<4096xf32, #tpu.memory_space<vmem>>, vector<16xf32>,
        %parallel_loop3A_63 = arith.constant 2048 : i32
        %parallel_loop3A_64 = arith.addi %parallel_loop3A_63, %parallel_loop3A_60 : i32
        %parallel_loop3A_65 = arith.index_cast %parallel_loop3A_64 : i32 to index
        %parallel_loop3A_66 = tpu.vector_load %arg7[%parallel_loop3A_65] {strides = array<i32>} : memref<4096xf32, #tpu.memory_space<vmem>>, vector<16xf32>,
        %parallel_loop3A_67 = vector.broadcast %parallel_loop3A_60 : i32 to vector<16xi32>
        %parallel_loop3A_68 = arith.addi %parallel_loop3A_67, %iota3A : vector<16xi32>
        %parallel_loop3A_69 = arith.constant 0 : i32
        %parallel_loop3A_70 = arith.index_cast %parallel_loop3A_69 : i32 to index
        %parallel_loop3A_71 = arith.index_cast %parallel_loop3A_60 : i32 to index
        %parallel_loop3A_72 = tpu.vector_load %arg5[%parallel_loop3A_70, %parallel_loop3A_71] {strides = array<i32>} : memref<16x2048xf32, #tpu.memory_space<vmem>>, vector<16xf32>,
        %parallel_loop3A_73 = arith.mulf %parallel_loop3A_72, %parallel_loop3A_62 : vector<16xf32>
        %parallel_loop3A_74 = arith.addf %parallel_loop3A_73, %parallel_loop3A_66 : vector<16xf32>
        %parallel_loop3A_75 = arith.constant 0.000000e+00 : f32
        %parallel_loop3A_76 = vector.broadcast %parallel_loop3A_75 : f32 to vector<16xf32>
        %parallel_loop3A_77 = arith.maximumf %parallel_loop3A_74, %parallel_loop3A_76 : vector<16xf32>
        %parallel_loop3A_78 = arith.constant 9.000000e+00 : f32
        %parallel_loop3A_79 = vector.broadcast %parallel_loop3A_78 : f32 to vector<16xf32>
        %parallel_loop3A_80 = arith.minimumf %parallel_loop3A_77, %parallel_loop3A_79 : vector<16xf32>
        %parallel_loop3A_81 = arith.fptosi %parallel_loop3A_80 : vector<16xf32> to vector<16xi32>
        %parallel_loop3A_82 = arith.constant 2048 : i32
        %parallel_loop3A_83 = vector.broadcast %parallel_loop3A_82 : i32 to vector<16xi32>
        %parallel_loop3A_84 = arith.muli %parallel_loop3A_81, %parallel_loop3A_83 : vector<16xi32>
        %parallel_loop3A_85 = arith.addi %parallel_loop3A_84, %parallel_loop3A_68 : vector<16xi32>
        %parallel_loop3A_86 = arith.constant 1 : i32
        %parallel_loop3A_87 = arith.index_cast %parallel_loop3A_86 : i32 to index
        %parallel_loop3A_88 = arith.index_cast %parallel_loop3A_60 : i32 to index
        %parallel_loop3A_89 = tpu.vector_load %arg5[%parallel_loop3A_87, %parallel_loop3A_88] {strides = array<i32>} : memref<16x2048xf32, #tpu.memory_space<vmem>>, vector<16xf32>,
        %parallel_loop3A_90 = arith.mulf %parallel_loop3A_89, %parallel_loop3A_62 : vector<16xf32>
        %parallel_loop3A_91 = arith.addf %parallel_loop3A_90, %parallel_loop3A_66 : vector<16xf32>
        %parallel_loop3A_92 = arith.constant 0.000000e+00 : f32
        %parallel_loop3A_93 = vector.broadcast %parallel_loop3A_92 : f32 to vector<16xf32>
        %parallel_loop3A_94 = arith.maximumf %parallel_loop3A_91, %parallel_loop3A_93 : vector<16xf32>
        %parallel_loop3A_95 = arith.constant 9.000000e+00 : f32
        %parallel_loop3A_96 = vector.broadcast %parallel_loop3A_95 : f32 to vector<16xf32>
        %parallel_loop3A_97 = arith.minimumf %parallel_loop3A_94, %parallel_loop3A_96 : vector<16xf32>
        %parallel_loop3A_98 = arith.fptosi %parallel_loop3A_97 : vector<16xf32> to vector<16xi32>
        %parallel_loop3A_99 = arith.constant 2048 : i32
        %parallel_loop3A_100 = vector.broadcast %parallel_loop3A_99 : i32 to vector<16xi32>
        %parallel_loop3A_101 = arith.muli %parallel_loop3A_98, %parallel_loop3A_100 : vector<16xi32>
        %parallel_loop3A_102 = arith.addi %parallel_loop3A_101, %parallel_loop3A_68 : vector<16xi32>
        %parallel_loop3A_103 = arith.constant 2 : i32
        %parallel_loop3A_104 = arith.index_cast %parallel_loop3A_103 : i32 to index
        %parallel_loop3A_105 = arith.index_cast %parallel_loop3A_60 : i32 to index
        %parallel_loop3A_106 = tpu.vector_load %arg5[%parallel_loop3A_104, %parallel_loop3A_105] {strides = array<i32>} : memref<16x2048xf32, #tpu.memory_space<vmem>>, vector<16xf32>,
        %parallel_loop3A_107 = arith.mulf %parallel_loop3A_106, %parallel_loop3A_62 : vector<16xf32>
        %parallel_loop3A_108 = arith.addf %parallel_loop3A_107, %parallel_loop3A_66 : vector<16xf32>
        %parallel_loop3A_109 = arith.constant 0.000000e+00 : f32
        %parallel_loop3A_110 = vector.broadcast %parallel_loop3A_109 : f32 to vector<16xf32>
        %parallel_loop3A_111 = arith.maximumf %parallel_loop3A_108, %parallel_loop3A_110 : vector<16xf32>
        %parallel_loop3A_112 = arith.constant 9.000000e+00 : f32
        %parallel_loop3A_113 = vector.broadcast %parallel_loop3A_112 : f32 to vector<16xf32>
        %parallel_loop3A_114 = arith.minimumf %parallel_loop3A_111, %parallel_loop3A_113 : vector<16xf32>
        %parallel_loop3A_115 = arith.fptosi %parallel_loop3A_114 : vector<16xf32> to vector<16xi32>
        %parallel_loop3A_116 = arith.constant 2048 : i32
        %parallel_loop3A_117 = vector.broadcast %parallel_loop3A_116 : i32 to vector<16xi32>
        %parallel_loop3A_118 = arith.muli %parallel_loop3A_115, %parallel_loop3A_117 : vector<16xi32>
        %parallel_loop3A_119 = arith.addi %parallel_loop3A_118, %parallel_loop3A_68 : vector<16xi32>
        %parallel_loop3A_120 = arith.constant 3 : i32
        %parallel_loop3A_121 = arith.index_cast %parallel_loop3A_120 : i32 to index
        %parallel_loop3A_122 = arith.index_cast %parallel_loop3A_60 : i32 to index
        %parallel_loop3A_123 = tpu.vector_load %arg5[%parallel_loop3A_121, %parallel_loop3A_122] {strides = array<i32>} : memref<16x2048xf32, #tpu.memory_space<vmem>>, vector<16xf32>,
        %parallel_loop3A_124 = arith.mulf %parallel_loop3A_123, %parallel_loop3A_62 : vector<16xf32>
        %parallel_loop3A_125 = arith.addf %parallel_loop3A_124, %parallel_loop3A_66 : vector<16xf32>
        %parallel_loop3A_126 = arith.constant 0.000000e+00 : f32
        %parallel_loop3A_127 = vector.broadcast %parallel_loop3A_126 : f32 to vector<16xf32>
        %parallel_loop3A_128 = arith.maximumf %parallel_loop3A_125, %parallel_loop3A_127 : vector<16xf32>
        %parallel_loop3A_129 = arith.constant 9.000000e+00 : f32
        %parallel_loop3A_130 = vector.broadcast %parallel_loop3A_129 : f32 to vector<16xf32>
        %parallel_loop3A_131 = arith.minimumf %parallel_loop3A_128, %parallel_loop3A_130 : vector<16xf32>
        %parallel_loop3A_132 = arith.fptosi %parallel_loop3A_131 : vector<16xf32> to vector<16xi32>
        %parallel_loop3A_133 = arith.constant 2048 : i32
        %parallel_loop3A_134 = vector.broadcast %parallel_loop3A_133 : i32 to vector<16xi32>
        %parallel_loop3A_135 = arith.muli %parallel_loop3A_132, %parallel_loop3A_134 : vector<16xi32>
        %parallel_loop3A_136 = arith.addi %parallel_loop3A_135, %parallel_loop3A_68 : vector<16xi32>
        %parallel_loop3A_137 = arith.constant 4 : i32
        %parallel_loop3A_138 = arith.index_cast %parallel_loop3A_137 : i32 to index
        %parallel_loop3A_139 = arith.index_cast %parallel_loop3A_60 : i32 to index
        %parallel_loop3A_140 = tpu.vector_load %arg5[%parallel_loop3A_138, %parallel_loop3A_139] {strides = array<i32>} : memref<16x2048xf32, #tpu.memory_space<vmem>>, vector<16xf32>,
        %parallel_loop3A_141 = arith.mulf %parallel_loop3A_140, %parallel_loop3A_62 : vector<16xf32>
        %parallel_loop3A_142 = arith.addf %parallel_loop3A_141, %parallel_loop3A_66 : vector<16xf32>
        %parallel_loop3A_143 = arith.constant 0.000000e+00 : f32
        %parallel_loop3A_144 = vector.broadcast %parallel_loop3A_143 : f32 to vector<16xf32>
        %parallel_loop3A_145 = arith.maximumf %parallel_loop3A_142, %parallel_loop3A_144 : vector<16xf32>
        %parallel_loop3A_146 = arith.constant 9.000000e+00 : f32
        %parallel_loop3A_147 = vector.broadcast %parallel_loop3A_146 : f32 to vector<16xf32>
        %parallel_loop3A_148 = arith.minimumf %parallel_loop3A_145, %parallel_loop3A_147 : vector<16xf32>
        %parallel_loop3A_149 = arith.fptosi %parallel_loop3A_148 : vector<16xf32> to vector<16xi32>
        %parallel_loop3A_150 = arith.constant 2048 : i32
        %parallel_loop3A_151 = vector.broadcast %parallel_loop3A_150 : i32 to vector<16xi32>
        %parallel_loop3A_152 = arith.muli %parallel_loop3A_149, %parallel_loop3A_151 : vector<16xi32>
        %parallel_loop3A_153 = arith.addi %parallel_loop3A_152, %parallel_loop3A_68 : vector<16xi32>
        %parallel_loop3A_154 = arith.constant 5 : i32
        %parallel_loop3A_155 = arith.index_cast %parallel_loop3A_154 : i32 to index
        %parallel_loop3A_156 = arith.index_cast %parallel_loop3A_60 : i32 to index
        %parallel_loop3A_157 = tpu.vector_load %arg5[%parallel_loop3A_155, %parallel_loop3A_156] {strides = array<i32>} : memref<16x2048xf32, #tpu.memory_space<vmem>>, vector<16xf32>,
        %parallel_loop3A_158 = arith.mulf %parallel_loop3A_157, %parallel_loop3A_62 : vector<16xf32>
        %parallel_loop3A_159 = arith.addf %parallel_loop3A_158, %parallel_loop3A_66 : vector<16xf32>
        %parallel_loop3A_160 = arith.constant 0.000000e+00 : f32
        %parallel_loop3A_161 = vector.broadcast %parallel_loop3A_160 : f32 to vector<16xf32>
        %parallel_loop3A_162 = arith.maximumf %parallel_loop3A_159, %parallel_loop3A_161 : vector<16xf32>
        %parallel_loop3A_163 = arith.constant 9.000000e+00 : f32
        %parallel_loop3A_164 = vector.broadcast %parallel_loop3A_163 : f32 to vector<16xf32>
        %parallel_loop3A_165 = arith.minimumf %parallel_loop3A_162, %parallel_loop3A_164 : vector<16xf32>
        %parallel_loop3A_166 = arith.fptosi %parallel_loop3A_165 : vector<16xf32> to vector<16xi32>
        %parallel_loop3A_167 = arith.constant 2048 : i32
        %parallel_loop3A_168 = vector.broadcast %parallel_loop3A_167 : i32 to vector<16xi32>
        %parallel_loop3A_169 = arith.muli %parallel_loop3A_166, %parallel_loop3A_168 : vector<16xi32>
        %parallel_loop3A_170 = arith.addi %parallel_loop3A_169, %parallel_loop3A_68 : vector<16xi32>
        %parallel_loop3A_171 = arith.constant 6 : i32
        %parallel_loop3A_172 = arith.index_cast %parallel_loop3A_171 : i32 to index
        %parallel_loop3A_173 = arith.index_cast %parallel_loop3A_60 : i32 to index
        %parallel_loop3A_174 = tpu.vector_load %arg5[%parallel_loop3A_172, %parallel_loop3A_173] {strides = array<i32>} : memref<16x2048xf32, #tpu.memory_space<vmem>>, vector<16xf32>,
        %parallel_loop3A_175 = arith.mulf %parallel_loop3A_174, %parallel_loop3A_62 : vector<16xf32>
        %parallel_loop3A_176 = arith.addf %parallel_loop3A_175, %parallel_loop3A_66 : vector<16xf32>
        %parallel_loop3A_177 = arith.constant 0.000000e+00 : f32
        %parallel_loop3A_178 = vector.broadcast %parallel_loop3A_177 : f32 to vector<16xf32>
        %parallel_loop3A_179 = arith.maximumf %parallel_loop3A_176, %parallel_loop3A_178 : vector<16xf32>
        %parallel_loop3A_180 = arith.constant 9.000000e+00 : f32
        %parallel_loop3A_181 = vector.broadcast %parallel_loop3A_180 : f32 to vector<16xf32>
        %parallel_loop3A_182 = arith.minimumf %parallel_loop3A_179, %parallel_loop3A_181 : vector<16xf32>
        %parallel_loop3A_183 = arith.fptosi %parallel_loop3A_182 : vector<16xf32> to vector<16xi32>
        %parallel_loop3A_184 = arith.constant 2048 : i32
        %parallel_loop3A_185 = vector.broadcast %parallel_loop3A_184 : i32 to vector<16xi32>
        %parallel_loop3A_186 = arith.muli %parallel_loop3A_183, %parallel_loop3A_185 : vector<16xi32>
        %parallel_loop3A_187 = arith.addi %parallel_loop3A_186, %parallel_loop3A_68 : vector<16xi32>
        %parallel_loop3A_188 = arith.constant 7 : i32
        %parallel_loop3A_189 = arith.index_cast %parallel_loop3A_188 : i32 to index
        %parallel_loop3A_190 = arith.index_cast %parallel_loop3A_60 : i32 to index
        %parallel_loop3A_191 = tpu.vector_load %arg5[%parallel_loop3A_189, %parallel_loop3A_190] {strides = array<i32>} : memref<16x2048xf32, #tpu.memory_space<vmem>>, vector<16xf32>,
        %parallel_loop3A_192 = arith.mulf %parallel_loop3A_191, %parallel_loop3A_62 : vector<16xf32>
        %parallel_loop3A_193 = arith.addf %parallel_loop3A_192, %parallel_loop3A_66 : vector<16xf32>
        %parallel_loop3A_194 = arith.constant 0.000000e+00 : f32
        %parallel_loop3A_195 = vector.broadcast %parallel_loop3A_194 : f32 to vector<16xf32>
        %parallel_loop3A_196 = arith.maximumf %parallel_loop3A_193, %parallel_loop3A_195 : vector<16xf32>
        %parallel_loop3A_197 = arith.constant 9.000000e+00 : f32
        %parallel_loop3A_198 = vector.broadcast %parallel_loop3A_197 : f32 to vector<16xf32>
        %parallel_loop3A_199 = arith.minimumf %parallel_loop3A_196, %parallel_loop3A_198 : vector<16xf32>
        %parallel_loop3A_200 = arith.fptosi %parallel_loop3A_199 : vector<16xf32> to vector<16xi32>
        %parallel_loop3A_201 = arith.constant 2048 : i32
        %parallel_loop3A_202 = vector.broadcast %parallel_loop3A_201 : i32 to vector<16xi32>
        %parallel_loop3A_203 = arith.muli %parallel_loop3A_200, %parallel_loop3A_202 : vector<16xi32>
        %parallel_loop3A_204 = arith.addi %parallel_loop3A_203, %parallel_loop3A_68 : vector<16xi32>
        %parallel_loop3A_205 = arith.constant 8 : i32
        %parallel_loop3A_206 = arith.index_cast %parallel_loop3A_205 : i32 to index
        %parallel_loop3A_207 = arith.index_cast %parallel_loop3A_60 : i32 to index
        %parallel_loop3A_208 = tpu.vector_load %arg5[%parallel_loop3A_206, %parallel_loop3A_207] {strides = array<i32>} : memref<16x2048xf32, #tpu.memory_space<vmem>>, vector<16xf32>,
        %parallel_loop3A_209 = arith.mulf %parallel_loop3A_208, %parallel_loop3A_62 : vector<16xf32>
        %parallel_loop3A_210 = arith.addf %parallel_loop3A_209, %parallel_loop3A_66 : vector<16xf32>
        %parallel_loop3A_211 = arith.constant 0.000000e+00 : f32
        %parallel_loop3A_212 = vector.broadcast %parallel_loop3A_211 : f32 to vector<16xf32>
        %parallel_loop3A_213 = arith.maximumf %parallel_loop3A_210, %parallel_loop3A_212 : vector<16xf32>
        %parallel_loop3A_214 = arith.constant 9.000000e+00 : f32
        %parallel_loop3A_215 = vector.broadcast %parallel_loop3A_214 : f32 to vector<16xf32>
        %parallel_loop3A_216 = arith.minimumf %parallel_loop3A_213, %parallel_loop3A_215 : vector<16xf32>
        %parallel_loop3A_217 = arith.fptosi %parallel_loop3A_216 : vector<16xf32> to vector<16xi32>
        %parallel_loop3A_218 = arith.constant 2048 : i32
        %parallel_loop3A_219 = vector.broadcast %parallel_loop3A_218 : i32 to vector<16xi32>
        %parallel_loop3A_220 = arith.muli %parallel_loop3A_217, %parallel_loop3A_219 : vector<16xi32>
        %parallel_loop3A_221 = arith.addi %parallel_loop3A_220, %parallel_loop3A_68 : vector<16xi32>
        %parallel_loop3A_222 = arith.constant 9 : i32
        %parallel_loop3A_223 = arith.index_cast %parallel_loop3A_222 : i32 to index
        %parallel_loop3A_224 = arith.index_cast %parallel_loop3A_60 : i32 to index
        %parallel_loop3A_225 = tpu.vector_load %arg5[%parallel_loop3A_223, %parallel_loop3A_224] {strides = array<i32>} : memref<16x2048xf32, #tpu.memory_space<vmem>>, vector<16xf32>,
        %parallel_loop3A_226 = arith.mulf %parallel_loop3A_225, %parallel_loop3A_62 : vector<16xf32>
        %parallel_loop3A_227 = arith.addf %parallel_loop3A_226, %parallel_loop3A_66 : vector<16xf32>
        %parallel_loop3A_228 = arith.constant 0.000000e+00 : f32
        %parallel_loop3A_229 = vector.broadcast %parallel_loop3A_228 : f32 to vector<16xf32>
        %parallel_loop3A_230 = arith.maximumf %parallel_loop3A_227, %parallel_loop3A_229 : vector<16xf32>
        %parallel_loop3A_231 = arith.constant 9.000000e+00 : f32
        %parallel_loop3A_232 = vector.broadcast %parallel_loop3A_231 : f32 to vector<16xf32>
        %parallel_loop3A_233 = arith.minimumf %parallel_loop3A_230, %parallel_loop3A_232 : vector<16xf32>
        %parallel_loop3A_234 = arith.fptosi %parallel_loop3A_233 : vector<16xf32> to vector<16xi32>
        %parallel_loop3A_235 = arith.constant 2048 : i32
        %parallel_loop3A_236 = vector.broadcast %parallel_loop3A_235 : i32 to vector<16xi32>
        %parallel_loop3A_237 = arith.muli %parallel_loop3A_234, %parallel_loop3A_236 : vector<16xi32>
        %parallel_loop3A_238 = arith.addi %parallel_loop3A_237, %parallel_loop3A_68 : vector<16xi32>
        %parallel_loop3A_239 = arith.constant 10 : i32
        %parallel_loop3A_240 = arith.index_cast %parallel_loop3A_239 : i32 to index
        %parallel_loop3A_241 = arith.index_cast %parallel_loop3A_60 : i32 to index
        %parallel_loop3A_242 = tpu.vector_load %arg5[%parallel_loop3A_240, %parallel_loop3A_241] {strides = array<i32>} : memref<16x2048xf32, #tpu.memory_space<vmem>>, vector<16xf32>,
        %parallel_loop3A_243 = arith.mulf %parallel_loop3A_242, %parallel_loop3A_62 : vector<16xf32>
        %parallel_loop3A_244 = arith.addf %parallel_loop3A_243, %parallel_loop3A_66 : vector<16xf32>
        %parallel_loop3A_245 = arith.constant 0.000000e+00 : f32
        %parallel_loop3A_246 = vector.broadcast %parallel_loop3A_245 : f32 to vector<16xf32>
        %parallel_loop3A_247 = arith.maximumf %parallel_loop3A_244, %parallel_loop3A_246 : vector<16xf32>
        %parallel_loop3A_248 = arith.constant 9.000000e+00 : f32
        %parallel_loop3A_249 = vector.broadcast %parallel_loop3A_248 : f32 to vector<16xf32>
        %parallel_loop3A_250 = arith.minimumf %parallel_loop3A_247, %parallel_loop3A_249 : vector<16xf32>
        %parallel_loop3A_251 = arith.fptosi %parallel_loop3A_250 : vector<16xf32> to vector<16xi32>
        %parallel_loop3A_252 = arith.constant 2048 : i32
        %parallel_loop3A_253 = vector.broadcast %parallel_loop3A_252 : i32 to vector<16xi32>
        %parallel_loop3A_254 = arith.muli %parallel_loop3A_251, %parallel_loop3A_253 : vector<16xi32>
        %parallel_loop3A_255 = arith.addi %parallel_loop3A_254, %parallel_loop3A_68 : vector<16xi32>
        %parallel_loop3A_256 = arith.constant 11 : i32
        %parallel_loop3A_257 = arith.index_cast %parallel_loop3A_256 : i32 to index
        %parallel_loop3A_258 = arith.index_cast %parallel_loop3A_60 : i32 to index
        %parallel_loop3A_259 = tpu.vector_load %arg5[%parallel_loop3A_257, %parallel_loop3A_258] {strides = array<i32>} : memref<16x2048xf32, #tpu.memory_space<vmem>>, vector<16xf32>,
        %parallel_loop3A_260 = arith.mulf %parallel_loop3A_259, %parallel_loop3A_62 : vector<16xf32>
        %parallel_loop3A_261 = arith.addf %parallel_loop3A_260, %parallel_loop3A_66 : vector<16xf32>
        %parallel_loop3A_262 = arith.constant 0.000000e+00 : f32
        %parallel_loop3A_263 = vector.broadcast %parallel_loop3A_262 : f32 to vector<16xf32>
        %parallel_loop3A_264 = arith.maximumf %parallel_loop3A_261, %parallel_loop3A_263 : vector<16xf32>
        %parallel_loop3A_265 = arith.constant 9.000000e+00 : f32
        %parallel_loop3A_266 = vector.broadcast %parallel_loop3A_265 : f32 to vector<16xf32>
        %parallel_loop3A_267 = arith.minimumf %parallel_loop3A_264, %parallel_loop3A_266 : vector<16xf32>
        %parallel_loop3A_268 = arith.fptosi %parallel_loop3A_267 : vector<16xf32> to vector<16xi32>
        %parallel_loop3A_269 = arith.constant 2048 : i32
        %parallel_loop3A_270 = vector.broadcast %parallel_loop3A_269 : i32 to vector<16xi32>
        %parallel_loop3A_271 = arith.muli %parallel_loop3A_268, %parallel_loop3A_270 : vector<16xi32>
        %parallel_loop3A_272 = arith.addi %parallel_loop3A_271, %parallel_loop3A_68 : vector<16xi32>
        %parallel_loop3A_273 = arith.constant 12 : i32
        %parallel_loop3A_274 = arith.index_cast %parallel_loop3A_273 : i32 to index
        %parallel_loop3A_275 = arith.index_cast %parallel_loop3A_60 : i32 to index
        %parallel_loop3A_276 = tpu.vector_load %arg5[%parallel_loop3A_274, %parallel_loop3A_275] {strides = array<i32>} : memref<16x2048xf32, #tpu.memory_space<vmem>>, vector<16xf32>,
        %parallel_loop3A_277 = arith.mulf %parallel_loop3A_276, %parallel_loop3A_62 : vector<16xf32>
        %parallel_loop3A_278 = arith.addf %parallel_loop3A_277, %parallel_loop3A_66 : vector<16xf32>
        %parallel_loop3A_279 = arith.constant 0.000000e+00 : f32
        %parallel_loop3A_280 = vector.broadcast %parallel_loop3A_279 : f32 to vector<16xf32>
        %parallel_loop3A_281 = arith.maximumf %parallel_loop3A_278, %parallel_loop3A_280 : vector<16xf32>
        %parallel_loop3A_282 = arith.constant 9.000000e+00 : f32
        %parallel_loop3A_283 = vector.broadcast %parallel_loop3A_282 : f32 to vector<16xf32>
        %parallel_loop3A_284 = arith.minimumf %parallel_loop3A_281, %parallel_loop3A_283 : vector<16xf32>
        %parallel_loop3A_285 = arith.fptosi %parallel_loop3A_284 : vector<16xf32> to vector<16xi32>
        %parallel_loop3A_286 = arith.constant 2048 : i32
        %parallel_loop3A_287 = vector.broadcast %parallel_loop3A_286 : i32 to vector<16xi32>
        %parallel_loop3A_288 = arith.muli %parallel_loop3A_285, %parallel_loop3A_287 : vector<16xi32>
        %parallel_loop3A_289 = arith.addi %parallel_loop3A_288, %parallel_loop3A_68 : vector<16xi32>
        %parallel_loop3A_290 = arith.constant 13 : i32
        %parallel_loop3A_291 = arith.index_cast %parallel_loop3A_290 : i32 to index
        %parallel_loop3A_292 = arith.index_cast %parallel_loop3A_60 : i32 to index
        %parallel_loop3A_293 = tpu.vector_load %arg5[%parallel_loop3A_291, %parallel_loop3A_292] {strides = array<i32>} : memref<16x2048xf32, #tpu.memory_space<vmem>>, vector<16xf32>,
        %parallel_loop3A_294 = arith.mulf %parallel_loop3A_293, %parallel_loop3A_62 : vector<16xf32>
        %parallel_loop3A_295 = arith.addf %parallel_loop3A_294, %parallel_loop3A_66 : vector<16xf32>
        %parallel_loop3A_296 = arith.constant 0.000000e+00 : f32
        %parallel_loop3A_297 = vector.broadcast %parallel_loop3A_296 : f32 to vector<16xf32>
        %parallel_loop3A_298 = arith.maximumf %parallel_loop3A_295, %parallel_loop3A_297 : vector<16xf32>
        %parallel_loop3A_299 = arith.constant 9.000000e+00 : f32
        %parallel_loop3A_300 = vector.broadcast %parallel_loop3A_299 : f32 to vector<16xf32>
        %parallel_loop3A_301 = arith.minimumf %parallel_loop3A_298, %parallel_loop3A_300 : vector<16xf32>
        %parallel_loop3A_302 = arith.fptosi %parallel_loop3A_301 : vector<16xf32> to vector<16xi32>
        %parallel_loop3A_303 = arith.constant 2048 : i32
        %parallel_loop3A_304 = vector.broadcast %parallel_loop3A_303 : i32 to vector<16xi32>
        %parallel_loop3A_305 = arith.muli %parallel_loop3A_302, %parallel_loop3A_304 : vector<16xi32>
        %parallel_loop3A_306 = arith.addi %parallel_loop3A_305, %parallel_loop3A_68 : vector<16xi32>
        %parallel_loop3A_307 = arith.constant 14 : i32
        %parallel_loop3A_308 = arith.index_cast %parallel_loop3A_307 : i32 to index
        %parallel_loop3A_309 = arith.index_cast %parallel_loop3A_60 : i32 to index
        %parallel_loop3A_310 = tpu.vector_load %arg5[%parallel_loop3A_308, %parallel_loop3A_309] {strides = array<i32>} : memref<16x2048xf32, #tpu.memory_space<vmem>>, vector<16xf32>,
        %parallel_loop3A_311 = arith.mulf %parallel_loop3A_310, %parallel_loop3A_62 : vector<16xf32>
        %parallel_loop3A_312 = arith.addf %parallel_loop3A_311, %parallel_loop3A_66 : vector<16xf32>
        %parallel_loop3A_313 = arith.constant 0.000000e+00 : f32
        %parallel_loop3A_314 = vector.broadcast %parallel_loop3A_313 : f32 to vector<16xf32>
        %parallel_loop3A_315 = arith.maximumf %parallel_loop3A_312, %parallel_loop3A_314 : vector<16xf32>
        %parallel_loop3A_316 = arith.constant 9.000000e+00 : f32
        %parallel_loop3A_317 = vector.broadcast %parallel_loop3A_316 : f32 to vector<16xf32>
        %parallel_loop3A_318 = arith.minimumf %parallel_loop3A_315, %parallel_loop3A_317 : vector<16xf32>
        %parallel_loop3A_319 = arith.fptosi %parallel_loop3A_318 : vector<16xf32> to vector<16xi32>
        %parallel_loop3A_320 = arith.constant 2048 : i32
        %parallel_loop3A_321 = vector.broadcast %parallel_loop3A_320 : i32 to vector<16xi32>
        %parallel_loop3A_322 = arith.muli %parallel_loop3A_319, %parallel_loop3A_321 : vector<16xi32>
        %parallel_loop3A_323 = arith.addi %parallel_loop3A_322, %parallel_loop3A_68 : vector<16xi32>
        %parallel_loop3A_324 = arith.constant 15 : i32
        %parallel_loop3A_325 = arith.index_cast %parallel_loop3A_324 : i32 to index
        %parallel_loop3A_326 = arith.index_cast %parallel_loop3A_60 : i32 to index
        %parallel_loop3A_327 = tpu.vector_load %arg5[%parallel_loop3A_325, %parallel_loop3A_326] {strides = array<i32>} : memref<16x2048xf32, #tpu.memory_space<vmem>>, vector<16xf32>,
        %parallel_loop3A_328 = arith.mulf %parallel_loop3A_327, %parallel_loop3A_62 : vector<16xf32>
        %parallel_loop3A_329 = arith.addf %parallel_loop3A_328, %parallel_loop3A_66 : vector<16xf32>
        %parallel_loop3A_330 = arith.constant 0.000000e+00 : f32
        %parallel_loop3A_331 = vector.broadcast %parallel_loop3A_330 : f32 to vector<16xf32>
        %parallel_loop3A_332 = arith.maximumf %parallel_loop3A_329, %parallel_loop3A_331 : vector<16xf32>
        %parallel_loop3A_333 = arith.constant 9.000000e+00 : f32
        %parallel_loop3A_334 = vector.broadcast %parallel_loop3A_333 : f32 to vector<16xf32>
        %parallel_loop3A_335 = arith.minimumf %parallel_loop3A_332, %parallel_loop3A_334 : vector<16xf32>
        %parallel_loop3A_336 = arith.fptosi %parallel_loop3A_335 : vector<16xf32> to vector<16xi32>
        %parallel_loop3A_337 = arith.constant 2048 : i32
        %parallel_loop3A_338 = vector.broadcast %parallel_loop3A_337 : i32 to vector<16xi32>
        %parallel_loop3A_339 = arith.muli %parallel_loop3A_336, %parallel_loop3A_338 : vector<16xi32>
        %parallel_loop3A_340 = arith.addi %parallel_loop3A_339, %parallel_loop3A_68 : vector<16xi32>
        tpu.vector_store_idx %arg8[%parallel_loop3A_85], %broadcast_in_dim3A_20 {add = true} : memref<20480xf32, #tpu.memory_space<vmem>>[vector<16xi32>], vector<16xf32>,
        tpu.vector_store_idx %arg8[%parallel_loop3A_102], %broadcast_in_dim3A_20 {add = true} : memref<20480xf32, #tpu.memory_space<vmem>>[vector<16xi32>], vector<16xf32>,
        tpu.vector_store_idx %arg8[%parallel_loop3A_119], %broadcast_in_dim3A_20 {add = true} : memref<20480xf32, #tpu.memory_space<vmem>>[vector<16xi32>], vector<16xf32>,
        tpu.vector_store_idx %arg8[%parallel_loop3A_136], %broadcast_in_dim3A_20 {add = true} : memref<20480xf32, #tpu.memory_space<vmem>>[vector<16xi32>], vector<16xf32>,
        tpu.vector_store_idx %arg8[%parallel_loop3A_153], %broadcast_in_dim3A_20 {add = true} : memref<20480xf32, #tpu.memory_space<vmem>>[vector<16xi32>], vector<16xf32>,
        tpu.vector_store_idx %arg8[%parallel_loop3A_170], %broadcast_in_dim3A_20 {add = true} : memref<20480xf32, #tpu.memory_space<vmem>>[vector<16xi32>], vector<16xf32>,
        tpu.vector_store_idx %arg8[%parallel_loop3A_187], %broadcast_in_dim3A_20 {add = true} : memref<20480xf32, #tpu.memory_space<vmem>>[vector<16xi32>], vector<16xf32>,
        tpu.vector_store_idx %arg8[%parallel_loop3A_204], %broadcast_in_dim3A_20 {add = true} : memref<20480xf32, #tpu.memory_space<vmem>>[vector<16xi32>], vector<16xf32>,
        tpu.vector_store_idx %arg8[%parallel_loop3A_221], %broadcast_in_dim3A_20 {add = true} : memref<20480xf32, #tpu.memory_space<vmem>>[vector<16xi32>], vector<16xf32>,
        tpu.vector_store_idx %arg8[%parallel_loop3A_238], %broadcast_in_dim3A_20 {add = true} : memref<20480xf32, #tpu.memory_space<vmem>>[vector<16xi32>], vector<16xf32>,
        tpu.vector_store_idx %arg8[%parallel_loop3A_255], %broadcast_in_dim3A_20 {add = true} : memref<20480xf32, #tpu.memory_space<vmem>>[vector<16xi32>], vector<16xf32>,
        tpu.vector_store_idx %arg8[%parallel_loop3A_272], %broadcast_in_dim3A_20 {add = true} : memref<20480xf32, #tpu.memory_space<vmem>>[vector<16xi32>], vector<16xf32>,
        tpu.vector_store_idx %arg8[%parallel_loop3A_289], %broadcast_in_dim3A_20 {add = true} : memref<20480xf32, #tpu.memory_space<vmem>>[vector<16xi32>], vector<16xf32>,
        tpu.vector_store_idx %arg8[%parallel_loop3A_306], %broadcast_in_dim3A_20 {add = true} : memref<20480xf32, #tpu.memory_space<vmem>>[vector<16xi32>], vector<16xf32>,
        tpu.vector_store_idx %arg8[%parallel_loop3A_323], %broadcast_in_dim3A_20 {add = true} : memref<20480xf32, #tpu.memory_space<vmem>>[vector<16xi32>], vector<16xf32>,
        tpu.vector_store_idx %arg8[%parallel_loop3A_340], %broadcast_in_dim3A_20 {add = true} : memref<20480xf32, #tpu.memory_space<vmem>>[vector<16xi32>], vector<16xf32>,
      } {sc.loop_unroll_factor = 1 : i64, sc.parallel_access}
      %lt3A = arith.constant 9 : i32
      %lt3A_39 = arith.cmpi slt, %scan3A_27, %lt3A : i32
      %convert_element_type3A = arith.extui %lt3A_39 : i1 to i32
      %cond3A = arith.constant 0 : i32
      %cond3A_40 = arith.cmpi ne, %convert_element_type3A, %cond3A : i32
      scf.if %cond3A_40 {
        %add3A_58 = arith.constant 2 : i32
        %add3A_59 = arith.addi %mul3A_29, %add3A_58 : i32
        %mul3A_60 = arith.constant 16 : i32
        %mul3A_61 = arith.muli %add3A_59, %mul3A_60 : i32
        %add3A_62 = arith.addi %add3A_4, %mul3A_61 : i32
        %dma_start3A_63 = arith.constant 0 : i32
        %dma_start3A_64 = tpu.memref_slice %arg2[%add3A_62, %dma_start3A_63] : memref<16384x2048xf32, #tpu.memory_space<hbm>> -> memref<16x2048xf32, #tpu.memory_space<hbm>>
        %dma_start3A_65 = arith.constant 0 : i32
        %dma_start3A_66 = tpu.memref_slice %arg2[%add3A_62, %dma_start3A_65] : memref<16384x2048xf32, #tpu.memory_space<hbm>> -> memref<16x2048xf32, #tpu.memory_space<hbm>>
        tpu.enqueue_dma source(%dma_start3A_66 : memref<16x2048xf32, #tpu.memory_space<hbm>>) target(%arg5 : memref<16x2048xf32, #tpu.memory_space<vmem>>) target_semaphore(%arg9 : memref<!tpu.dma_semaphore, #tpu.memory_space<semaphore_mem>>)
      } else {
      }
      %add3A_41 = arith.constant 1 : i32
      %add3A_42 = arith.addi %mul3A_29, %add3A_41 : i32
      %mul3A_43 = arith.constant 16 : i32
      %mul3A_44 = arith.muli %add3A_42, %mul3A_43 : i32
      %add3A_45 = arith.addi %add3A_4, %mul3A_44 : i32
      %dma_wait3A_46 = arith.constant 0 : i32
      %dma_wait3A_47 = tpu.memref_slice %arg2[%add3A_45, %dma_wait3A_46] : memref<16384x2048xf32, #tpu.memory_space<hbm>> -> memref<16x2048xf32, #tpu.memory_space<hbm>>
      %dma_wait3A_48 = arith.constant 0 : i32
      %dma_wait3A_49 = tpu.memref_slice %arg2[%add3A_45, %dma_wait3A_48] : memref<16384x2048xf32, #tpu.memory_space<hbm>> -> memref<16x2048xf32, #tpu.memory_space<hbm>>
      tpu.wait_dma2 semaphore(%arg10 : memref<!tpu.dma_semaphore, #tpu.memory_space<semaphore_mem>>) src(%dma_wait3A_49 : memref<16x2048xf32, #tpu.memory_space<hbm>>) dst(%arg6 : memref<16x2048xf32, #tpu.memory_space<vmem>>)
      %parallel_loop3A_50 = arith.constant 0 : i32
      %parallel_loop3A_51 = arith.constant 128 : i32
      %parallel_loop3A_52 = arith.constant 1 : i32
      scf.for %parallel_loop3A_58 = %parallel_loop3A_50 to %parallel_loop3A_51 step %parallel_loop3A_52  : i32 {
        %parallel_loop3A_59 = arith.constant 16 : i32
        %parallel_loop3A_60 = arith.muli %parallel_loop3A_58, %parallel_loop3A_59 : i32
        %parallel_loop3A_61 = arith.index_cast %parallel_loop3A_60 : i32 to index
        %parallel_loop3A_62 = tpu.vector_load %arg7[%parallel_loop3A_61] {strides = array<i32>} : memref<4096xf32, #tpu.memory_space<vmem>>, vector<16xf32>,
        %parallel_loop3A_63 = arith.constant 2048 : i32
        %parallel_loop3A_64 = arith.addi %parallel_loop3A_63, %parallel_loop3A_60 : i32
        %parallel_loop3A_65 = arith.index_cast %parallel_loop3A_64 : i32 to index
        %parallel_loop3A_66 = tpu.vector_load %arg7[%parallel_loop3A_65] {strides = array<i32>} : memref<4096xf32, #tpu.memory_space<vmem>>, vector<16xf32>,
        %parallel_loop3A_67 = vector.broadcast %parallel_loop3A_60 : i32 to vector<16xi32>
        %parallel_loop3A_68 = arith.addi %parallel_loop3A_67, %iota3A : vector<16xi32>
        %parallel_loop3A_69 = arith.constant 0 : i32
        %parallel_loop3A_70 = arith.index_cast %parallel_loop3A_69 : i32 to index
        %parallel_loop3A_71 = arith.index_cast %parallel_loop3A_60 : i32 to index
        %parallel_loop3A_72 = tpu.vector_load %arg6[%parallel_loop3A_70, %parallel_loop3A_71] {strides = array<i32>} : memref<16x2048xf32, #tpu.memory_space<vmem>>, vector<16xf32>,
        %parallel_loop3A_73 = arith.mulf %parallel_loop3A_72, %parallel_loop3A_62 : vector<16xf32>
        %parallel_loop3A_74 = arith.addf %parallel_loop3A_73, %parallel_loop3A_66 : vector<16xf32>
        %parallel_loop3A_75 = arith.constant 0.000000e+00 : f32
        %parallel_loop3A_76 = vector.broadcast %parallel_loop3A_75 : f32 to vector<16xf32>
        %parallel_loop3A_77 = arith.maximumf %parallel_loop3A_74, %parallel_loop3A_76 : vector<16xf32>
        %parallel_loop3A_78 = arith.constant 9.000000e+00 : f32
        %parallel_loop3A_79 = vector.broadcast %parallel_loop3A_78 : f32 to vector<16xf32>
        %parallel_loop3A_80 = arith.minimumf %parallel_loop3A_77, %parallel_loop3A_79 : vector<16xf32>
        %parallel_loop3A_81 = arith.fptosi %parallel_loop3A_80 : vector<16xf32> to vector<16xi32>
        %parallel_loop3A_82 = arith.constant 2048 : i32
        %parallel_loop3A_83 = vector.broadcast %parallel_loop3A_82 : i32 to vector<16xi32>
        %parallel_loop3A_84 = arith.muli %parallel_loop3A_81, %parallel_loop3A_83 : vector<16xi32>
        %parallel_loop3A_85 = arith.addi %parallel_loop3A_84, %parallel_loop3A_68 : vector<16xi32>
        %parallel_loop3A_86 = arith.constant 1 : i32
        %parallel_loop3A_87 = arith.index_cast %parallel_loop3A_86 : i32 to index
        %parallel_loop3A_88 = arith.index_cast %parallel_loop3A_60 : i32 to index
        %parallel_loop3A_89 = tpu.vector_load %arg6[%parallel_loop3A_87, %parallel_loop3A_88] {strides = array<i32>} : memref<16x2048xf32, #tpu.memory_space<vmem>>, vector<16xf32>,
        %parallel_loop3A_90 = arith.mulf %parallel_loop3A_89, %parallel_loop3A_62 : vector<16xf32>
        %parallel_loop3A_91 = arith.addf %parallel_loop3A_90, %parallel_loop3A_66 : vector<16xf32>
        %parallel_loop3A_92 = arith.constant 0.000000e+00 : f32
        %parallel_loop3A_93 = vector.broadcast %parallel_loop3A_92 : f32 to vector<16xf32>
        %parallel_loop3A_94 = arith.maximumf %parallel_loop3A_91, %parallel_loop3A_93 : vector<16xf32>
        %parallel_loop3A_95 = arith.constant 9.000000e+00 : f32
        %parallel_loop3A_96 = vector.broadcast %parallel_loop3A_95 : f32 to vector<16xf32>
        %parallel_loop3A_97 = arith.minimumf %parallel_loop3A_94, %parallel_loop3A_96 : vector<16xf32>
        %parallel_loop3A_98 = arith.fptosi %parallel_loop3A_97 : vector<16xf32> to vector<16xi32>
        %parallel_loop3A_99 = arith.constant 2048 : i32
        %parallel_loop3A_100 = vector.broadcast %parallel_loop3A_99 : i32 to vector<16xi32>
        %parallel_loop3A_101 = arith.muli %parallel_loop3A_98, %parallel_loop3A_100 : vector<16xi32>
        %parallel_loop3A_102 = arith.addi %parallel_loop3A_101, %parallel_loop3A_68 : vector<16xi32>
        %parallel_loop3A_103 = arith.constant 2 : i32
        %parallel_loop3A_104 = arith.index_cast %parallel_loop3A_103 : i32 to index
        %parallel_loop3A_105 = arith.index_cast %parallel_loop3A_60 : i32 to index
        %parallel_loop3A_106 = tpu.vector_load %arg6[%parallel_loop3A_104, %parallel_loop3A_105] {strides = array<i32>} : memref<16x2048xf32, #tpu.memory_space<vmem>>, vector<16xf32>,
        %parallel_loop3A_107 = arith.mulf %parallel_loop3A_106, %parallel_loop3A_62 : vector<16xf32>
        %parallel_loop3A_108 = arith.addf %parallel_loop3A_107, %parallel_loop3A_66 : vector<16xf32>
        %parallel_loop3A_109 = arith.constant 0.000000e+00 : f32
        %parallel_loop3A_110 = vector.broadcast %parallel_loop3A_109 : f32 to vector<16xf32>
        %parallel_loop3A_111 = arith.maximumf %parallel_loop3A_108, %parallel_loop3A_110 : vector<16xf32>
        %parallel_loop3A_112 = arith.constant 9.000000e+00 : f32
        %parallel_loop3A_113 = vector.broadcast %parallel_loop3A_112 : f32 to vector<16xf32>
        %parallel_loop3A_114 = arith.minimumf %parallel_loop3A_111, %parallel_loop3A_113 : vector<16xf32>
        %parallel_loop3A_115 = arith.fptosi %parallel_loop3A_114 : vector<16xf32> to vector<16xi32>
        %parallel_loop3A_116 = arith.constant 2048 : i32
        %parallel_loop3A_117 = vector.broadcast %parallel_loop3A_116 : i32 to vector<16xi32>
        %parallel_loop3A_118 = arith.muli %parallel_loop3A_115, %parallel_loop3A_117 : vector<16xi32>
        %parallel_loop3A_119 = arith.addi %parallel_loop3A_118, %parallel_loop3A_68 : vector<16xi32>
        %parallel_loop3A_120 = arith.constant 3 : i32
        %parallel_loop3A_121 = arith.index_cast %parallel_loop3A_120 : i32 to index
        %parallel_loop3A_122 = arith.index_cast %parallel_loop3A_60 : i32 to index
        %parallel_loop3A_123 = tpu.vector_load %arg6[%parallel_loop3A_121, %parallel_loop3A_122] {strides = array<i32>} : memref<16x2048xf32, #tpu.memory_space<vmem>>, vector<16xf32>,
        %parallel_loop3A_124 = arith.mulf %parallel_loop3A_123, %parallel_loop3A_62 : vector<16xf32>
        %parallel_loop3A_125 = arith.addf %parallel_loop3A_124, %parallel_loop3A_66 : vector<16xf32>
        %parallel_loop3A_126 = arith.constant 0.000000e+00 : f32
        %parallel_loop3A_127 = vector.broadcast %parallel_loop3A_126 : f32 to vector<16xf32>
        %parallel_loop3A_128 = arith.maximumf %parallel_loop3A_125, %parallel_loop3A_127 : vector<16xf32>
        %parallel_loop3A_129 = arith.constant 9.000000e+00 : f32
        %parallel_loop3A_130 = vector.broadcast %parallel_loop3A_129 : f32 to vector<16xf32>
        %parallel_loop3A_131 = arith.minimumf %parallel_loop3A_128, %parallel_loop3A_130 : vector<16xf32>
        %parallel_loop3A_132 = arith.fptosi %parallel_loop3A_131 : vector<16xf32> to vector<16xi32>
        %parallel_loop3A_133 = arith.constant 2048 : i32
        %parallel_loop3A_134 = vector.broadcast %parallel_loop3A_133 : i32 to vector<16xi32>
        %parallel_loop3A_135 = arith.muli %parallel_loop3A_132, %parallel_loop3A_134 : vector<16xi32>
        %parallel_loop3A_136 = arith.addi %parallel_loop3A_135, %parallel_loop3A_68 : vector<16xi32>
        %parallel_loop3A_137 = arith.constant 4 : i32
        %parallel_loop3A_138 = arith.index_cast %parallel_loop3A_137 : i32 to index
        %parallel_loop3A_139 = arith.index_cast %parallel_loop3A_60 : i32 to index
        %parallel_loop3A_140 = tpu.vector_load %arg6[%parallel_loop3A_138, %parallel_loop3A_139] {strides = array<i32>} : memref<16x2048xf32, #tpu.memory_space<vmem>>, vector<16xf32>,
        %parallel_loop3A_141 = arith.mulf %parallel_loop3A_140, %parallel_loop3A_62 : vector<16xf32>
        %parallel_loop3A_142 = arith.addf %parallel_loop3A_141, %parallel_loop3A_66 : vector<16xf32>
        %parallel_loop3A_143 = arith.constant 0.000000e+00 : f32
        %parallel_loop3A_144 = vector.broadcast %parallel_loop3A_143 : f32 to vector<16xf32>
        %parallel_loop3A_145 = arith.maximumf %parallel_loop3A_142, %parallel_loop3A_144 : vector<16xf32>
        %parallel_loop3A_146 = arith.constant 9.000000e+00 : f32
        %parallel_loop3A_147 = vector.broadcast %parallel_loop3A_146 : f32 to vector<16xf32>
        %parallel_loop3A_148 = arith.minimumf %parallel_loop3A_145, %parallel_loop3A_147 : vector<16xf32>
        %parallel_loop3A_149 = arith.fptosi %parallel_loop3A_148 : vector<16xf32> to vector<16xi32>
        %parallel_loop3A_150 = arith.constant 2048 : i32
        %parallel_loop3A_151 = vector.broadcast %parallel_loop3A_150 : i32 to vector<16xi32>
        %parallel_loop3A_152 = arith.muli %parallel_loop3A_149, %parallel_loop3A_151 : vector<16xi32>
        %parallel_loop3A_153 = arith.addi %parallel_loop3A_152, %parallel_loop3A_68 : vector<16xi32>
        %parallel_loop3A_154 = arith.constant 5 : i32
        %parallel_loop3A_155 = arith.index_cast %parallel_loop3A_154 : i32 to index
        %parallel_loop3A_156 = arith.index_cast %parallel_loop3A_60 : i32 to index
        %parallel_loop3A_157 = tpu.vector_load %arg6[%parallel_loop3A_155, %parallel_loop3A_156] {strides = array<i32>} : memref<16x2048xf32, #tpu.memory_space<vmem>>, vector<16xf32>,
        %parallel_loop3A_158 = arith.mulf %parallel_loop3A_157, %parallel_loop3A_62 : vector<16xf32>
        %parallel_loop3A_159 = arith.addf %parallel_loop3A_158, %parallel_loop3A_66 : vector<16xf32>
        %parallel_loop3A_160 = arith.constant 0.000000e+00 : f32
        %parallel_loop3A_161 = vector.broadcast %parallel_loop3A_160 : f32 to vector<16xf32>
        %parallel_loop3A_162 = arith.maximumf %parallel_loop3A_159, %parallel_loop3A_161 : vector<16xf32>
        %parallel_loop3A_163 = arith.constant 9.000000e+00 : f32
        %parallel_loop3A_164 = vector.broadcast %parallel_loop3A_163 : f32 to vector<16xf32>
        %parallel_loop3A_165 = arith.minimumf %parallel_loop3A_162, %parallel_loop3A_164 : vector<16xf32>
        %parallel_loop3A_166 = arith.fptosi %parallel_loop3A_165 : vector<16xf32> to vector<16xi32>
        %parallel_loop3A_167 = arith.constant 2048 : i32
        %parallel_loop3A_168 = vector.broadcast %parallel_loop3A_167 : i32 to vector<16xi32>
        %parallel_loop3A_169 = arith.muli %parallel_loop3A_166, %parallel_loop3A_168 : vector<16xi32>
        %parallel_loop3A_170 = arith.addi %parallel_loop3A_169, %parallel_loop3A_68 : vector<16xi32>
        %parallel_loop3A_171 = arith.constant 6 : i32
        %parallel_loop3A_172 = arith.index_cast %parallel_loop3A_171 : i32 to index
        %parallel_loop3A_173 = arith.index_cast %parallel_loop3A_60 : i32 to index
        %parallel_loop3A_174 = tpu.vector_load %arg6[%parallel_loop3A_172, %parallel_loop3A_173] {strides = array<i32>} : memref<16x2048xf32, #tpu.memory_space<vmem>>, vector<16xf32>,
        %parallel_loop3A_175 = arith.mulf %parallel_loop3A_174, %parallel_loop3A_62 : vector<16xf32>
        %parallel_loop3A_176 = arith.addf %parallel_loop3A_175, %parallel_loop3A_66 : vector<16xf32>
        %parallel_loop3A_177 = arith.constant 0.000000e+00 : f32
        %parallel_loop3A_178 = vector.broadcast %parallel_loop3A_177 : f32 to vector<16xf32>
        %parallel_loop3A_179 = arith.maximumf %parallel_loop3A_176, %parallel_loop3A_178 : vector<16xf32>
        %parallel_loop3A_180 = arith.constant 9.000000e+00 : f32
        %parallel_loop3A_181 = vector.broadcast %parallel_loop3A_180 : f32 to vector<16xf32>
        %parallel_loop3A_182 = arith.minimumf %parallel_loop3A_179, %parallel_loop3A_181 : vector<16xf32>
        %parallel_loop3A_183 = arith.fptosi %parallel_loop3A_182 : vector<16xf32> to vector<16xi32>
        %parallel_loop3A_184 = arith.constant 2048 : i32
        %parallel_loop3A_185 = vector.broadcast %parallel_loop3A_184 : i32 to vector<16xi32>
        %parallel_loop3A_186 = arith.muli %parallel_loop3A_183, %parallel_loop3A_185 : vector<16xi32>
        %parallel_loop3A_187 = arith.addi %parallel_loop3A_186, %parallel_loop3A_68 : vector<16xi32>
        %parallel_loop3A_188 = arith.constant 7 : i32
        %parallel_loop3A_189 = arith.index_cast %parallel_loop3A_188 : i32 to index
        %parallel_loop3A_190 = arith.index_cast %parallel_loop3A_60 : i32 to index
        %parallel_loop3A_191 = tpu.vector_load %arg6[%parallel_loop3A_189, %parallel_loop3A_190] {strides = array<i32>} : memref<16x2048xf32, #tpu.memory_space<vmem>>, vector<16xf32>,
        %parallel_loop3A_192 = arith.mulf %parallel_loop3A_191, %parallel_loop3A_62 : vector<16xf32>
        %parallel_loop3A_193 = arith.addf %parallel_loop3A_192, %parallel_loop3A_66 : vector<16xf32>
        %parallel_loop3A_194 = arith.constant 0.000000e+00 : f32
        %parallel_loop3A_195 = vector.broadcast %parallel_loop3A_194 : f32 to vector<16xf32>
        %parallel_loop3A_196 = arith.maximumf %parallel_loop3A_193, %parallel_loop3A_195 : vector<16xf32>
        %parallel_loop3A_197 = arith.constant 9.000000e+00 : f32
        %parallel_loop3A_198 = vector.broadcast %parallel_loop3A_197 : f32 to vector<16xf32>
        %parallel_loop3A_199 = arith.minimumf %parallel_loop3A_196, %parallel_loop3A_198 : vector<16xf32>
        %parallel_loop3A_200 = arith.fptosi %parallel_loop3A_199 : vector<16xf32> to vector<16xi32>
        %parallel_loop3A_201 = arith.constant 2048 : i32
        %parallel_loop3A_202 = vector.broadcast %parallel_loop3A_201 : i32 to vector<16xi32>
        %parallel_loop3A_203 = arith.muli %parallel_loop3A_200, %parallel_loop3A_202 : vector<16xi32>
        %parallel_loop3A_204 = arith.addi %parallel_loop3A_203, %parallel_loop3A_68 : vector<16xi32>
        %parallel_loop3A_205 = arith.constant 8 : i32
        %parallel_loop3A_206 = arith.index_cast %parallel_loop3A_205 : i32 to index
        %parallel_loop3A_207 = arith.index_cast %parallel_loop3A_60 : i32 to index
        %parallel_loop3A_208 = tpu.vector_load %arg6[%parallel_loop3A_206, %parallel_loop3A_207] {strides = array<i32>} : memref<16x2048xf32, #tpu.memory_space<vmem>>, vector<16xf32>,
        %parallel_loop3A_209 = arith.mulf %parallel_loop3A_208, %parallel_loop3A_62 : vector<16xf32>
        %parallel_loop3A_210 = arith.addf %parallel_loop3A_209, %parallel_loop3A_66 : vector<16xf32>
        %parallel_loop3A_211 = arith.constant 0.000000e+00 : f32
        %parallel_loop3A_212 = vector.broadcast %parallel_loop3A_211 : f32 to vector<16xf32>
        %parallel_loop3A_213 = arith.maximumf %parallel_loop3A_210, %parallel_loop3A_212 : vector<16xf32>
        %parallel_loop3A_214 = arith.constant 9.000000e+00 : f32
        %parallel_loop3A_215 = vector.broadcast %parallel_loop3A_214 : f32 to vector<16xf32>
        %parallel_loop3A_216 = arith.minimumf %parallel_loop3A_213, %parallel_loop3A_215 : vector<16xf32>
        %parallel_loop3A_217 = arith.fptosi %parallel_loop3A_216 : vector<16xf32> to vector<16xi32>
        %parallel_loop3A_218 = arith.constant 2048 : i32
        %parallel_loop3A_219 = vector.broadcast %parallel_loop3A_218 : i32 to vector<16xi32>
        %parallel_loop3A_220 = arith.muli %parallel_loop3A_217, %parallel_loop3A_219 : vector<16xi32>
        %parallel_loop3A_221 = arith.addi %parallel_loop3A_220, %parallel_loop3A_68 : vector<16xi32>
        %parallel_loop3A_222 = arith.constant 9 : i32
        %parallel_loop3A_223 = arith.index_cast %parallel_loop3A_222 : i32 to index
        %parallel_loop3A_224 = arith.index_cast %parallel_loop3A_60 : i32 to index
        %parallel_loop3A_225 = tpu.vector_load %arg6[%parallel_loop3A_223, %parallel_loop3A_224] {strides = array<i32>} : memref<16x2048xf32, #tpu.memory_space<vmem>>, vector<16xf32>,
        %parallel_loop3A_226 = arith.mulf %parallel_loop3A_225, %parallel_loop3A_62 : vector<16xf32>
        %parallel_loop3A_227 = arith.addf %parallel_loop3A_226, %parallel_loop3A_66 : vector<16xf32>
        %parallel_loop3A_228 = arith.constant 0.000000e+00 : f32
        %parallel_loop3A_229 = vector.broadcast %parallel_loop3A_228 : f32 to vector<16xf32>
        %parallel_loop3A_230 = arith.maximumf %parallel_loop3A_227, %parallel_loop3A_229 : vector<16xf32>
        %parallel_loop3A_231 = arith.constant 9.000000e+00 : f32
        %parallel_loop3A_232 = vector.broadcast %parallel_loop3A_231 : f32 to vector<16xf32>
        %parallel_loop3A_233 = arith.minimumf %parallel_loop3A_230, %parallel_loop3A_232 : vector<16xf32>
        %parallel_loop3A_234 = arith.fptosi %parallel_loop3A_233 : vector<16xf32> to vector<16xi32>
        %parallel_loop3A_235 = arith.constant 2048 : i32
        %parallel_loop3A_236 = vector.broadcast %parallel_loop3A_235 : i32 to vector<16xi32>
        %parallel_loop3A_237 = arith.muli %parallel_loop3A_234, %parallel_loop3A_236 : vector<16xi32>
        %parallel_loop3A_238 = arith.addi %parallel_loop3A_237, %parallel_loop3A_68 : vector<16xi32>
        %parallel_loop3A_239 = arith.constant 10 : i32
        %parallel_loop3A_240 = arith.index_cast %parallel_loop3A_239 : i32 to index
        %parallel_loop3A_241 = arith.index_cast %parallel_loop3A_60 : i32 to index
        %parallel_loop3A_242 = tpu.vector_load %arg6[%parallel_loop3A_240, %parallel_loop3A_241] {strides = array<i32>} : memref<16x2048xf32, #tpu.memory_space<vmem>>, vector<16xf32>,
        %parallel_loop3A_243 = arith.mulf %parallel_loop3A_242, %parallel_loop3A_62 : vector<16xf32>
        %parallel_loop3A_244 = arith.addf %parallel_loop3A_243, %parallel_loop3A_66 : vector<16xf32>
        %parallel_loop3A_245 = arith.constant 0.000000e+00 : f32
        %parallel_loop3A_246 = vector.broadcast %parallel_loop3A_245 : f32 to vector<16xf32>
        %parallel_loop3A_247 = arith.maximumf %parallel_loop3A_244, %parallel_loop3A_246 : vector<16xf32>
        %parallel_loop3A_248 = arith.constant 9.000000e+00 : f32
        %parallel_loop3A_249 = vector.broadcast %parallel_loop3A_248 : f32 to vector<16xf32>
        %parallel_loop3A_250 = arith.minimumf %parallel_loop3A_247, %parallel_loop3A_249 : vector<16xf32>
        %parallel_loop3A_251 = arith.fptosi %parallel_loop3A_250 : vector<16xf32> to vector<16xi32>
        %parallel_loop3A_252 = arith.constant 2048 : i32
        %parallel_loop3A_253 = vector.broadcast %parallel_loop3A_252 : i32 to vector<16xi32>
        %parallel_loop3A_254 = arith.muli %parallel_loop3A_251, %parallel_loop3A_253 : vector<16xi32>
        %parallel_loop3A_255 = arith.addi %parallel_loop3A_254, %parallel_loop3A_68 : vector<16xi32>
        %parallel_loop3A_256 = arith.constant 11 : i32
        %parallel_loop3A_257 = arith.index_cast %parallel_loop3A_256 : i32 to index
        %parallel_loop3A_258 = arith.index_cast %parallel_loop3A_60 : i32 to index
        %parallel_loop3A_259 = tpu.vector_load %arg6[%parallel_loop3A_257, %parallel_loop3A_258] {strides = array<i32>} : memref<16x2048xf32, #tpu.memory_space<vmem>>, vector<16xf32>,
        %parallel_loop3A_260 = arith.mulf %parallel_loop3A_259, %parallel_loop3A_62 : vector<16xf32>
        %parallel_loop3A_261 = arith.addf %parallel_loop3A_260, %parallel_loop3A_66 : vector<16xf32>
        %parallel_loop3A_262 = arith.constant 0.000000e+00 : f32
        %parallel_loop3A_263 = vector.broadcast %parallel_loop3A_262 : f32 to vector<16xf32>
        %parallel_loop3A_264 = arith.maximumf %parallel_loop3A_261, %parallel_loop3A_263 : vector<16xf32>
        %parallel_loop3A_265 = arith.constant 9.000000e+00 : f32
        %parallel_loop3A_266 = vector.broadcast %parallel_loop3A_265 : f32 to vector<16xf32>
        %parallel_loop3A_267 = arith.minimumf %parallel_loop3A_264, %parallel_loop3A_266 : vector<16xf32>
        %parallel_loop3A_268 = arith.fptosi %parallel_loop3A_267 : vector<16xf32> to vector<16xi32>
        %parallel_loop3A_269 = arith.constant 2048 : i32
        %parallel_loop3A_270 = vector.broadcast %parallel_loop3A_269 : i32 to vector<16xi32>
        %parallel_loop3A_271 = arith.muli %parallel_loop3A_268, %parallel_loop3A_270 : vector<16xi32>
        %parallel_loop3A_272 = arith.addi %parallel_loop3A_271, %parallel_loop3A_68 : vector<16xi32>
        %parallel_loop3A_273 = arith.constant 12 : i32
        %parallel_loop3A_274 = arith.index_cast %parallel_loop3A_273 : i32 to index
        %parallel_loop3A_275 = arith.index_cast %parallel_loop3A_60 : i32 to index
        %parallel_loop3A_276 = tpu.vector_load %arg6[%parallel_loop3A_274, %parallel_loop3A_275] {strides = array<i32>} : memref<16x2048xf32, #tpu.memory_space<vmem>>, vector<16xf32>,
        %parallel_loop3A_277 = arith.mulf %parallel_loop3A_276, %parallel_loop3A_62 : vector<16xf32>
        %parallel_loop3A_278 = arith.addf %parallel_loop3A_277, %parallel_loop3A_66 : vector<16xf32>
        %parallel_loop3A_279 = arith.constant 0.000000e+00 : f32
        %parallel_loop3A_280 = vector.broadcast %parallel_loop3A_279 : f32 to vector<16xf32>
        %parallel_loop3A_281 = arith.maximumf %parallel_loop3A_278, %parallel_loop3A_280 : vector<16xf32>
        %parallel_loop3A_282 = arith.constant 9.000000e+00 : f32
        %parallel_loop3A_283 = vector.broadcast %parallel_loop3A_282 : f32 to vector<16xf32>
        %parallel_loop3A_284 = arith.minimumf %parallel_loop3A_281, %parallel_loop3A_283 : vector<16xf32>
        %parallel_loop3A_285 = arith.fptosi %parallel_loop3A_284 : vector<16xf32> to vector<16xi32>
        %parallel_loop3A_286 = arith.constant 2048 : i32
        %parallel_loop3A_287 = vector.broadcast %parallel_loop3A_286 : i32 to vector<16xi32>
        %parallel_loop3A_288 = arith.muli %parallel_loop3A_285, %parallel_loop3A_287 : vector<16xi32>
        %parallel_loop3A_289 = arith.addi %parallel_loop3A_288, %parallel_loop3A_68 : vector<16xi32>
        %parallel_loop3A_290 = arith.constant 13 : i32
        %parallel_loop3A_291 = arith.index_cast %parallel_loop3A_290 : i32 to index
        %parallel_loop3A_292 = arith.index_cast %parallel_loop3A_60 : i32 to index
        %parallel_loop3A_293 = tpu.vector_load %arg6[%parallel_loop3A_291, %parallel_loop3A_292] {strides = array<i32>} : memref<16x2048xf32, #tpu.memory_space<vmem>>, vector<16xf32>,
        %parallel_loop3A_294 = arith.mulf %parallel_loop3A_293, %parallel_loop3A_62 : vector<16xf32>
        %parallel_loop3A_295 = arith.addf %parallel_loop3A_294, %parallel_loop3A_66 : vector<16xf32>
        %parallel_loop3A_296 = arith.constant 0.000000e+00 : f32
        %parallel_loop3A_297 = vector.broadcast %parallel_loop3A_296 : f32 to vector<16xf32>
        %parallel_loop3A_298 = arith.maximumf %parallel_loop3A_295, %parallel_loop3A_297 : vector<16xf32>
        %parallel_loop3A_299 = arith.constant 9.000000e+00 : f32
        %parallel_loop3A_300 = vector.broadcast %parallel_loop3A_299 : f32 to vector<16xf32>
        %parallel_loop3A_301 = arith.minimumf %parallel_loop3A_298, %parallel_loop3A_300 : vector<16xf32>
        %parallel_loop3A_302 = arith.fptosi %parallel_loop3A_301 : vector<16xf32> to vector<16xi32>
        %parallel_loop3A_303 = arith.constant 2048 : i32
        %parallel_loop3A_304 = vector.broadcast %parallel_loop3A_303 : i32 to vector<16xi32>
        %parallel_loop3A_305 = arith.muli %parallel_loop3A_302, %parallel_loop3A_304 : vector<16xi32>
        %parallel_loop3A_306 = arith.addi %parallel_loop3A_305, %parallel_loop3A_68 : vector<16xi32>
        %parallel_loop3A_307 = arith.constant 14 : i32
        %parallel_loop3A_308 = arith.index_cast %parallel_loop3A_307 : i32 to index
        %parallel_loop3A_309 = arith.index_cast %parallel_loop3A_60 : i32 to index
        %parallel_loop3A_310 = tpu.vector_load %arg6[%parallel_loop3A_308, %parallel_loop3A_309] {strides = array<i32>} : memref<16x2048xf32, #tpu.memory_space<vmem>>, vector<16xf32>,
        %parallel_loop3A_311 = arith.mulf %parallel_loop3A_310, %parallel_loop3A_62 : vector<16xf32>
        %parallel_loop3A_312 = arith.addf %parallel_loop3A_311, %parallel_loop3A_66 : vector<16xf32>
        %parallel_loop3A_313 = arith.constant 0.000000e+00 : f32
        %parallel_loop3A_314 = vector.broadcast %parallel_loop3A_313 : f32 to vector<16xf32>
        %parallel_loop3A_315 = arith.maximumf %parallel_loop3A_312, %parallel_loop3A_314 : vector<16xf32>
        %parallel_loop3A_316 = arith.constant 9.000000e+00 : f32
        %parallel_loop3A_317 = vector.broadcast %parallel_loop3A_316 : f32 to vector<16xf32>
        %parallel_loop3A_318 = arith.minimumf %parallel_loop3A_315, %parallel_loop3A_317 : vector<16xf32>
        %parallel_loop3A_319 = arith.fptosi %parallel_loop3A_318 : vector<16xf32> to vector<16xi32>
        %parallel_loop3A_320 = arith.constant 2048 : i32
        %parallel_loop3A_321 = vector.broadcast %parallel_loop3A_320 : i32 to vector<16xi32>
        %parallel_loop3A_322 = arith.muli %parallel_loop3A_319, %parallel_loop3A_321 : vector<16xi32>
        %parallel_loop3A_323 = arith.addi %parallel_loop3A_322, %parallel_loop3A_68 : vector<16xi32>
        %parallel_loop3A_324 = arith.constant 15 : i32
        %parallel_loop3A_325 = arith.index_cast %parallel_loop3A_324 : i32 to index
        %parallel_loop3A_326 = arith.index_cast %parallel_loop3A_60 : i32 to index
        %parallel_loop3A_327 = tpu.vector_load %arg6[%parallel_loop3A_325, %parallel_loop3A_326] {strides = array<i32>} : memref<16x2048xf32, #tpu.memory_space<vmem>>, vector<16xf32>,
        %parallel_loop3A_328 = arith.mulf %parallel_loop3A_327, %parallel_loop3A_62 : vector<16xf32>
        %parallel_loop3A_329 = arith.addf %parallel_loop3A_328, %parallel_loop3A_66 : vector<16xf32>
        %parallel_loop3A_330 = arith.constant 0.000000e+00 : f32
        %parallel_loop3A_331 = vector.broadcast %parallel_loop3A_330 : f32 to vector<16xf32>
        %parallel_loop3A_332 = arith.maximumf %parallel_loop3A_329, %parallel_loop3A_331 : vector<16xf32>
        %parallel_loop3A_333 = arith.constant 9.000000e+00 : f32
        %parallel_loop3A_334 = vector.broadcast %parallel_loop3A_333 : f32 to vector<16xf32>
        %parallel_loop3A_335 = arith.minimumf %parallel_loop3A_332, %parallel_loop3A_334 : vector<16xf32>
        %parallel_loop3A_336 = arith.fptosi %parallel_loop3A_335 : vector<16xf32> to vector<16xi32>
        %parallel_loop3A_337 = arith.constant 2048 : i32
        %parallel_loop3A_338 = vector.broadcast %parallel_loop3A_337 : i32 to vector<16xi32>
        %parallel_loop3A_339 = arith.muli %parallel_loop3A_336, %parallel_loop3A_338 : vector<16xi32>
        %parallel_loop3A_340 = arith.addi %parallel_loop3A_339, %parallel_loop3A_68 : vector<16xi32>
        tpu.vector_store_idx %arg8[%parallel_loop3A_85], %broadcast_in_dim3A_20 {add = true} : memref<20480xf32, #tpu.memory_space<vmem>>[vector<16xi32>], vector<16xf32>,
        tpu.vector_store_idx %arg8[%parallel_loop3A_102], %broadcast_in_dim3A_20 {add = true} : memref<20480xf32, #tpu.memory_space<vmem>>[vector<16xi32>], vector<16xf32>,
        tpu.vector_store_idx %arg8[%parallel_loop3A_119], %broadcast_in_dim3A_20 {add = true} : memref<20480xf32, #tpu.memory_space<vmem>>[vector<16xi32>], vector<16xf32>,
        tpu.vector_store_idx %arg8[%parallel_loop3A_136], %broadcast_in_dim3A_20 {add = true} : memref<20480xf32, #tpu.memory_space<vmem>>[vector<16xi32>], vector<16xf32>,
        tpu.vector_store_idx %arg8[%parallel_loop3A_153], %broadcast_in_dim3A_20 {add = true} : memref<20480xf32, #tpu.memory_space<vmem>>[vector<16xi32>], vector<16xf32>,
        tpu.vector_store_idx %arg8[%parallel_loop3A_170], %broadcast_in_dim3A_20 {add = true} : memref<20480xf32, #tpu.memory_space<vmem>>[vector<16xi32>], vector<16xf32>,
        tpu.vector_store_idx %arg8[%parallel_loop3A_187], %broadcast_in_dim3A_20 {add = true} : memref<20480xf32, #tpu.memory_space<vmem>>[vector<16xi32>], vector<16xf32>,
        tpu.vector_store_idx %arg8[%parallel_loop3A_204], %broadcast_in_dim3A_20 {add = true} : memref<20480xf32, #tpu.memory_space<vmem>>[vector<16xi32>], vector<16xf32>,
        tpu.vector_store_idx %arg8[%parallel_loop3A_221], %broadcast_in_dim3A_20 {add = true} : memref<20480xf32, #tpu.memory_space<vmem>>[vector<16xi32>], vector<16xf32>,
        tpu.vector_store_idx %arg8[%parallel_loop3A_238], %broadcast_in_dim3A_20 {add = true} : memref<20480xf32, #tpu.memory_space<vmem>>[vector<16xi32>], vector<16xf32>,
        tpu.vector_store_idx %arg8[%parallel_loop3A_255], %broadcast_in_dim3A_20 {add = true} : memref<20480xf32, #tpu.memory_space<vmem>>[vector<16xi32>], vector<16xf32>,
        tpu.vector_store_idx %arg8[%parallel_loop3A_272], %broadcast_in_dim3A_20 {add = true} : memref<20480xf32, #tpu.memory_space<vmem>>[vector<16xi32>], vector<16xf32>,
        tpu.vector_store_idx %arg8[%parallel_loop3A_289], %broadcast_in_dim3A_20 {add = true} : memref<20480xf32, #tpu.memory_space<vmem>>[vector<16xi32>], vector<16xf32>,
        tpu.vector_store_idx %arg8[%parallel_loop3A_306], %broadcast_in_dim3A_20 {add = true} : memref<20480xf32, #tpu.memory_space<vmem>>[vector<16xi32>], vector<16xf32>,
        tpu.vector_store_idx %arg8[%parallel_loop3A_323], %broadcast_in_dim3A_20 {add = true} : memref<20480xf32, #tpu.memory_space<vmem>>[vector<16xi32>], vector<16xf32>,
        tpu.vector_store_idx %arg8[%parallel_loop3A_340], %broadcast_in_dim3A_20 {add = true} : memref<20480xf32, #tpu.memory_space<vmem>>[vector<16xi32>], vector<16xf32>,
      } {sc.loop_unroll_factor = 1 : i64, sc.parallel_access}
      %lt3A_53 = arith.constant 9 : i32
      %lt3A_54 = arith.cmpi slt, %scan3A_27, %lt3A_53 : i32
      %convert_element_type3A_55 = arith.extui %lt3A_54 : i1 to i32
      %cond3A_56 = arith.constant 0 : i32
      %cond3A_57 = arith.cmpi ne, %convert_element_type3A_55, %cond3A_56 : i32
      scf.if %cond3A_57 {
        %add3A_58 = arith.constant 3 : i32
        %add3A_59 = arith.addi %mul3A_29, %add3A_58 : i32
        %mul3A_60 = arith.constant 16 : i32
        %mul3A_61 = arith.muli %add3A_59, %mul3A_60 : i32
        %add3A_62 = arith.addi %add3A_4, %mul3A_61 : i32
        %dma_start3A_63 = arith.constant 0 : i32
        %dma_start3A_64 = tpu.memref_slice %arg2[%add3A_62, %dma_start3A_63] : memref<16384x2048xf32, #tpu.memory_space<hbm>> -> memref<16x2048xf32, #tpu.memory_space<hbm>>
        %dma_start3A_65 = arith.constant 0 : i32
        %dma_start3A_66 = tpu.memref_slice %arg2[%add3A_62, %dma_start3A_65] : memref<16384x2048xf32, #tpu.memory_space<hbm>> -> memref<16x2048xf32, #tpu.memory_space<hbm>>
        tpu.enqueue_dma source(%dma_start3A_66 : memref<16x2048xf32, #tpu.memory_space<hbm>>) target(%arg6 : memref<16x2048xf32, #tpu.memory_space<vmem>>) target_semaphore(%arg10 : memref<!tpu.dma_semaphore, #tpu.memory_space<semaphore_mem>>)
      } else {
      }
    }
    %scan3A_24 = arith.constant 10 : i32
    %mul3A_25 = arith.constant 20480 : i32
    %mul3A_26 = arith.muli %add3A, %mul3A_25 : i32
    "tpu.region"() ({
      %run_scoped3A = tpu.sem_alloc : memref<!tpu.dma_semaphore, #tpu.memory_space<semaphore_mem>>
      %dma_start3A_27 = tpu.memref_slice %arg4[%mul3A_26] : memref<655360xf32, #tpu.memory_space<hbm>> -> memref<20480xf32, #tpu.memory_space<hbm>>
      %dma_start3A_28 = tpu.memref_slice %arg4[%mul3A_26] : memref<655360xf32, #tpu.memory_space<hbm>> -> memref<20480xf32, #tpu.memory_space<hbm>>
      tpu.enqueue_dma source(%arg8 : memref<20480xf32, #tpu.memory_space<vmem>>) target(%dma_start3A_28 : memref<20480xf32, #tpu.memory_space<hbm>>) target_semaphore(%run_scoped3A : memref<!tpu.dma_semaphore, #tpu.memory_space<semaphore_mem>>)
      %dma_wait3A = tpu.memref_slice %arg4[%mul3A_26] : memref<655360xf32, #tpu.memory_space<hbm>> -> memref<20480xf32, #tpu.memory_space<hbm>>
      %dma_wait3A_29 = tpu.memref_slice %arg4[%mul3A_26] : memref<655360xf32, #tpu.memory_space<hbm>> -> memref<20480xf32, #tpu.memory_space<hbm>>
      tpu.wait_dma2 semaphore(%run_scoped3A : memref<!tpu.dma_semaphore, #tpu.memory_space<semaphore_mem>>) src(%arg8 : memref<20480xf32, #tpu.memory_space<vmem>>) dst(%dma_wait3A_29 : memref<20480xf32, #tpu.memory_space<hbm>>)
      tpu.yield
    }) : () -> ()
    return
  }
}

module attributes {stable_mosaic.version = 14 : i64} {
  func.func @body(%arg0: i32, %arg1: memref<16384x2048xf32, #tpu.memory_space<hbm>>, %arg2: memref<16x2048xf32, #tpu.memory_space<vmem>>, %arg3: memref<16384x2048xf32, #tpu.memory_space<hbm>>, %arg4: memref<16x2048xf32, #tpu.memory_space<vmem>>, %arg5: memref<6x256x2048xf32, #tpu.memory_space<vmem>>, %arg6: memref<6x!tpu.dma_semaphore, #tpu.memory_space<semaphore_mem>>, %arg7: memref<6x!tpu.dma_semaphore, #tpu.memory_space<semaphore_mem>>) attributes {dimension_semantics = [#tpu.dimension_semantics<arbitrary>], iteration_bounds = array<i64: 64>, scalar_prefetch = 0 : i64, scratch_operands = 3 : i64, tpu.core_type = #tpu.core_type<tc>, window_params = [{}, {pipeline_mode = #tpu.pipeline_mode<synchronous>, transform_indices = @transform_1, window_bounds = array<i64: 16, 2048>}, {}, {pipeline_mode = #tpu.pipeline_mode<synchronous>, transform_indices = @transform_3, window_bounds = array<i64: 16, 2048>}]} {
    %rem3A = arith.constant 6 : i32
    %rem3A_0 = arith.remsi %arg0, %rem3A : i32
    %eq3A = arith.constant 0 : i32
    %eq3A_1 = arith.cmpi eq, %arg0, %eq3A : i32
    %convert_element_type3A = arith.extui %eq3A_1 : i1 to i32
    %cond3A = arith.constant 0 : i32
    %cond3A_2 = arith.cmpi ne, %convert_element_type3A, %cond3A : i32
    scf.if %cond3A_2 {
      %broadcast_in_dim3A = arith.constant 0.000000e+00 : f32
      %broadcast_in_dim3A_42 = vector.broadcast %broadcast_in_dim3A : f32 to vector<16x2048xf32>
      %swap3A = arith.constant 0 : index
      %swap3A_43 = arith.constant 0 : index
      %swap3A_44 = vector.load %arg4[%swap3A, %swap3A_43] : memref<16x2048xf32, #tpu.memory_space<vmem>>, vector<16x2048xf32>
      tpu.vector_store %arg4[%swap3A, %swap3A_43], %broadcast_in_dim3A_42 {strides = array<i32>} : memref<16x2048xf32, #tpu.memory_space<vmem>>, vector<16x2048xf32>,
      %dma_start3A_45 = arith.constant 0 : i32
      %dma_start3A_46 = arith.constant 0 : i32
      %dma_start3A_47 = tpu.memref_slice %arg6[%dma_start3A_46] : memref<6x!tpu.dma_semaphore, #tpu.memory_space<semaphore_mem>> -> memref<1x!tpu.dma_semaphore, #tpu.memory_space<semaphore_mem>>
      %dma_start3A_48 = tpu.memref_squeeze %dma_start3A_47 : memref<1x!tpu.dma_semaphore, #tpu.memory_space<semaphore_mem>> -> memref<!tpu.dma_semaphore, #tpu.memory_space<semaphore_mem>>
      %dma_start3A_49 = arith.constant 0 : i32
      %dma_start3A_50 = arith.constant 0 : i32
      %dma_start3A_51 = tpu.memref_slice %arg5[%dma_start3A_45, %dma_start3A_49, %dma_start3A_50] : memref<6x256x2048xf32, #tpu.memory_space<vmem>> -> memref<1x256x2048xf32, #tpu.memory_space<vmem>>
      %dma_start3A_52 = tpu.memref_squeeze %dma_start3A_51 : memref<1x256x2048xf32, #tpu.memory_space<vmem>> -> memref<256x2048xf32, #tpu.memory_space<vmem>>
      %dma_start3A_53 = arith.constant 0 : i32
      %dma_start3A_54 = arith.constant 0 : i32
      %dma_start3A_55 = tpu.memref_slice %arg1[%dma_start3A_53, %dma_start3A_54] : memref<16384x2048xf32, #tpu.memory_space<hbm>> -> memref<256x2048xf32, #tpu.memory_space<hbm>>
      tpu.enqueue_dma source(%dma_start3A_55 : memref<256x2048xf32, #tpu.memory_space<hbm>>) target(%dma_start3A_52 : memref<256x2048xf32, #tpu.memory_space<vmem>>) target_semaphore(%dma_start3A_48 : memref<!tpu.dma_semaphore, #tpu.memory_space<semaphore_mem>>)
      %dma_start3A_56 = arith.constant 1 : i32
      %dma_start3A_57 = arith.constant 1 : i32
      %dma_start3A_58 = tpu.memref_slice %arg6[%dma_start3A_57] : memref<6x!tpu.dma_semaphore, #tpu.memory_space<semaphore_mem>> -> memref<1x!tpu.dma_semaphore, #tpu.memory_space<semaphore_mem>>
      %dma_start3A_59 = tpu.memref_squeeze %dma_start3A_58 : memref<1x!tpu.dma_semaphore, #tpu.memory_space<semaphore_mem>> -> memref<!tpu.dma_semaphore, #tpu.memory_space<semaphore_mem>>
      %dma_start3A_60 = arith.constant 0 : i32
      %dma_start3A_61 = arith.constant 0 : i32
      %dma_start3A_62 = tpu.memref_slice %arg5[%dma_start3A_56, %dma_start3A_60, %dma_start3A_61] : memref<6x256x2048xf32, #tpu.memory_space<vmem>> -> memref<1x256x2048xf32, #tpu.memory_space<vmem>>
      %dma_start3A_63 = tpu.memref_squeeze %dma_start3A_62 : memref<1x256x2048xf32, #tpu.memory_space<vmem>> -> memref<256x2048xf32, #tpu.memory_space<vmem>>
      %dma_start3A_64 = arith.constant 256 : i32
      %dma_start3A_65 = arith.constant 0 : i32
      %dma_start3A_66 = tpu.memref_slice %arg1[%dma_start3A_64, %dma_start3A_65] : memref<16384x2048xf32, #tpu.memory_space<hbm>> -> memref<256x2048xf32, #tpu.memory_space<hbm>>
      tpu.enqueue_dma source(%dma_start3A_66 : memref<256x2048xf32, #tpu.memory_space<hbm>>) target(%dma_start3A_63 : memref<256x2048xf32, #tpu.memory_space<vmem>>) target_semaphore(%dma_start3A_59 : memref<!tpu.dma_semaphore, #tpu.memory_space<semaphore_mem>>)
      %dma_start3A_67 = arith.constant 2 : i32
      %dma_start3A_68 = arith.constant 2 : i32
      %dma_start3A_69 = tpu.memref_slice %arg6[%dma_start3A_68] : memref<6x!tpu.dma_semaphore, #tpu.memory_space<semaphore_mem>> -> memref<1x!tpu.dma_semaphore, #tpu.memory_space<semaphore_mem>>
      %dma_start3A_70 = tpu.memref_squeeze %dma_start3A_69 : memref<1x!tpu.dma_semaphore, #tpu.memory_space<semaphore_mem>> -> memref<!tpu.dma_semaphore, #tpu.memory_space<semaphore_mem>>
      %dma_start3A_71 = arith.constant 0 : i32
      %dma_start3A_72 = arith.constant 0 : i32
      %dma_start3A_73 = tpu.memref_slice %arg5[%dma_start3A_67, %dma_start3A_71, %dma_start3A_72] : memref<6x256x2048xf32, #tpu.memory_space<vmem>> -> memref<1x256x2048xf32, #tpu.memory_space<vmem>>
      %dma_start3A_74 = tpu.memref_squeeze %dma_start3A_73 : memref<1x256x2048xf32, #tpu.memory_space<vmem>> -> memref<256x2048xf32, #tpu.memory_space<vmem>>
      %dma_start3A_75 = arith.constant 512 : i32
      %dma_start3A_76 = arith.constant 0 : i32
      %dma_start3A_77 = tpu.memref_slice %arg1[%dma_start3A_75, %dma_start3A_76] : memref<16384x2048xf32, #tpu.memory_space<hbm>> -> memref<256x2048xf32, #tpu.memory_space<hbm>>
      tpu.enqueue_dma source(%dma_start3A_77 : memref<256x2048xf32, #tpu.memory_space<hbm>>) target(%dma_start3A_74 : memref<256x2048xf32, #tpu.memory_space<vmem>>) target_semaphore(%dma_start3A_70 : memref<!tpu.dma_semaphore, #tpu.memory_space<semaphore_mem>>)
      %dma_start3A_78 = arith.constant 3 : i32
      %dma_start3A_79 = arith.constant 3 : i32
      %dma_start3A_80 = tpu.memref_slice %arg6[%dma_start3A_79] : memref<6x!tpu.dma_semaphore, #tpu.memory_space<semaphore_mem>> -> memref<1x!tpu.dma_semaphore, #tpu.memory_space<semaphore_mem>>
      %dma_start3A_81 = tpu.memref_squeeze %dma_start3A_80 : memref<1x!tpu.dma_semaphore, #tpu.memory_space<semaphore_mem>> -> memref<!tpu.dma_semaphore, #tpu.memory_space<semaphore_mem>>
      %dma_start3A_82 = arith.constant 0 : i32
      %dma_start3A_83 = arith.constant 0 : i32
      %dma_start3A_84 = tpu.memref_slice %arg5[%dma_start3A_78, %dma_start3A_82, %dma_start3A_83] : memref<6x256x2048xf32, #tpu.memory_space<vmem>> -> memref<1x256x2048xf32, #tpu.memory_space<vmem>>
      %dma_start3A_85 = tpu.memref_squeeze %dma_start3A_84 : memref<1x256x2048xf32, #tpu.memory_space<vmem>> -> memref<256x2048xf32, #tpu.memory_space<vmem>>
      %dma_start3A_86 = arith.constant 768 : i32
      %dma_start3A_87 = arith.constant 0 : i32
      %dma_start3A_88 = tpu.memref_slice %arg1[%dma_start3A_86, %dma_start3A_87] : memref<16384x2048xf32, #tpu.memory_space<hbm>> -> memref<256x2048xf32, #tpu.memory_space<hbm>>
      tpu.enqueue_dma source(%dma_start3A_88 : memref<256x2048xf32, #tpu.memory_space<hbm>>) target(%dma_start3A_85 : memref<256x2048xf32, #tpu.memory_space<vmem>>) target_semaphore(%dma_start3A_81 : memref<!tpu.dma_semaphore, #tpu.memory_space<semaphore_mem>>)
    } else {
    }
    %mul3A = arith.constant 256 : i32
    %mul3A_3 = arith.muli %arg0, %mul3A : i32
    %dma_wait3A = tpu.memref_slice %arg6[%rem3A_0] : memref<6x!tpu.dma_semaphore, #tpu.memory_space<semaphore_mem>> -> memref<1x!tpu.dma_semaphore, #tpu.memory_space<semaphore_mem>>
    %dma_wait3A_4 = tpu.memref_squeeze %dma_wait3A : memref<1x!tpu.dma_semaphore, #tpu.memory_space<semaphore_mem>> -> memref<!tpu.dma_semaphore, #tpu.memory_space<semaphore_mem>>
    %dma_wait3A_5 = arith.constant 0 : i32
    %dma_wait3A_6 = arith.constant 0 : i32
    %dma_wait3A_7 = tpu.memref_slice %arg5[%rem3A_0, %dma_wait3A_5, %dma_wait3A_6] : memref<6x256x2048xf32, #tpu.memory_space<vmem>> -> memref<1x256x2048xf32, #tpu.memory_space<vmem>>
    %dma_wait3A_8 = tpu.memref_squeeze %dma_wait3A_7 : memref<1x256x2048xf32, #tpu.memory_space<vmem>> -> memref<256x2048xf32, #tpu.memory_space<vmem>>
    %dma_wait3A_9 = arith.constant 0 : i32
    %dma_wait3A_10 = tpu.memref_slice %arg1[%mul3A_3, %dma_wait3A_9] : memref<16384x2048xf32, #tpu.memory_space<hbm>> -> memref<256x2048xf32, #tpu.memory_space<hbm>>
    tpu.wait_dma2 semaphore(%dma_wait3A_4 : memref<!tpu.dma_semaphore, #tpu.memory_space<semaphore_mem>>) src(%dma_wait3A_10 : memref<256x2048xf32, #tpu.memory_space<hbm>>) dst(%dma_wait3A_8 : memref<256x2048xf32, #tpu.memory_space<vmem>>)
    %lt3A = arith.constant 24 : i32
    %lt3A_11 = arith.cmpi slt, %arg0, %lt3A : i32
    %convert_element_type3A_12 = arith.extui %lt3A_11 : i1 to i32
    %cond3A_13 = arith.constant 0 : i32
    %cond3A_14 = arith.cmpi ne, %convert_element_type3A_12, %cond3A_13 : i32
    scf.if %cond3A_14 {
      %get3A = arith.index_cast %rem3A_0 : i32 to index
      %get3A_42 = arith.constant 0 : index
      %get3A_43 = arith.constant 0 : index
      %get3A_44 = vector.load %arg5[%get3A, %get3A_42, %get3A_43] : memref<6x256x2048xf32, #tpu.memory_space<vmem>>, vector<1x256x2048xf32>
      %get3A_45 = vector.shape_cast %get3A_44 : vector<1x256x2048xf32> to vector<256x2048xf32>
      %get3A_46 = arith.constant 0 : index
      %get3A_47 = arith.constant 0 : index
      %get3A_48 = vector.load %arg2[%get3A_46, %get3A_47] : memref<16x2048xf32, #tpu.memory_space<vmem>>, vector<1x2048xf32>
      %get3A_49 = vector.shape_cast %get3A_48 : vector<1x2048xf32> to vector<2048xf32>
      %broadcast_in_dim3A = vector.shape_cast %get3A_49 : vector<2048xf32> to vector<1x2048xf32>
      %get3A_50 = arith.constant 0 : index
      %get3A_51 = arith.constant 0 : index
      %get3A_52 = vector.load %arg4[%get3A_50, %get3A_51] : memref<16x2048xf32, #tpu.memory_space<vmem>>, vector<1x2048xf32>
      %get3A_53 = vector.shape_cast %get3A_52 : vector<1x2048xf32> to vector<2048xf32>
      %gt3A = vector.broadcast %broadcast_in_dim3A : vector<1x2048xf32> to vector<256x2048xf32>
      %gt3A_54 = arith.cmpf ogt, %get3A_45, %gt3A : vector<256x2048xf32>
      %jit3A = arith.constant 1.000000e+00 : f32
      %jit3A_55 = arith.constant 0.000000e+00 : f32
      %broadcast_in_dim3A_56 = vector.broadcast %jit3A : f32 to vector<256x2048xf32>
      %broadcast_in_dim3A_57 = vector.broadcast %jit3A_55 : f32 to vector<256x2048xf32>
      %select_n3A = arith.select %gt3A_54, %broadcast_in_dim3A_56, %broadcast_in_dim3A_57 : vector<256x2048xi1>, vector<256x2048xf32>
      %reduce_sum3A = arith.constant dense<0.000000e+00> : vector<2048xf32>
      %reduce_sum3A_58 = vector.multi_reduction <add>, %select_n3A, %reduce_sum3A [0] : vector<256x2048xf32> to vector<2048xf32>
      %add3A_59 = arith.addf %get3A_53, %reduce_sum3A_58 : vector<2048xf32>
      %swap3A = arith.constant 0 : index
      %swap3A_60 = arith.constant 0 : index
      %swap3A_61 = vector.load %arg4[%swap3A, %swap3A_60] : memref<16x2048xf32, #tpu.memory_space<vmem>>, vector<1x2048xf32>
      %swap3A_62 = vector.shape_cast %swap3A_61 : vector<1x2048xf32> to vector<2048xf32>
      %swap3A_63 = vector.shape_cast %add3A_59 : vector<2048xf32> to vector<1x2048xf32>
      tpu.vector_store %arg4[%swap3A, %swap3A_60], %swap3A_63 {strides = array<i32>} : memref<16x2048xf32, #tpu.memory_space<vmem>>, vector<1x2048xf32>,
      %get3A_64 = arith.constant 1 : index
      %get3A_65 = arith.constant 0 : index
      %get3A_66 = vector.load %arg2[%get3A_64, %get3A_65] : memref<16x2048xf32, #tpu.memory_space<vmem>>, vector<1x2048xf32>
      %get3A_67 = vector.shape_cast %get3A_66 : vector<1x2048xf32> to vector<2048xf32>
      %broadcast_in_dim3A_68 = vector.shape_cast %get3A_67 : vector<2048xf32> to vector<1x2048xf32>
      %get3A_69 = arith.constant 1 : index
      %get3A_70 = arith.constant 0 : index
      %get3A_71 = vector.load %arg4[%get3A_69, %get3A_70] : memref<16x2048xf32, #tpu.memory_space<vmem>>, vector<1x2048xf32>
      %get3A_72 = vector.shape_cast %get3A_71 : vector<1x2048xf32> to vector<2048xf32>
      %gt3A_73 = vector.broadcast %broadcast_in_dim3A_68 : vector<1x2048xf32> to vector<256x2048xf32>
      %gt3A_74 = arith.cmpf ogt, %get3A_45, %gt3A_73 : vector<256x2048xf32>
      %jit3A_75 = arith.constant 1.000000e+00 : f32
      %jit3A_76 = arith.constant 0.000000e+00 : f32
      %broadcast_in_dim3A_77 = vector.broadcast %jit3A_75 : f32 to vector<256x2048xf32>
      %broadcast_in_dim3A_78 = vector.broadcast %jit3A_76 : f32 to vector<256x2048xf32>
      %select_n3A_79 = arith.select %gt3A_74, %broadcast_in_dim3A_77, %broadcast_in_dim3A_78 : vector<256x2048xi1>, vector<256x2048xf32>
      %reduce_sum3A_80 = arith.constant dense<0.000000e+00> : vector<2048xf32>
      %reduce_sum3A_81 = vector.multi_reduction <add>, %select_n3A_79, %reduce_sum3A_80 [0] : vector<256x2048xf32> to vector<2048xf32>
      %add3A_82 = arith.addf %get3A_72, %reduce_sum3A_81 : vector<2048xf32>
      %swap3A_83 = arith.constant 1 : index
      %swap3A_84 = arith.constant 0 : index
      %swap3A_85 = vector.load %arg4[%swap3A_83, %swap3A_84] : memref<16x2048xf32, #tpu.memory_space<vmem>>, vector<1x2048xf32>
      %swap3A_86 = vector.shape_cast %swap3A_85 : vector<1x2048xf32> to vector<2048xf32>
      %swap3A_87 = vector.shape_cast %add3A_82 : vector<2048xf32> to vector<1x2048xf32>
      tpu.vector_store %arg4[%swap3A_83, %swap3A_84], %swap3A_87 {strides = array<i32>} : memref<16x2048xf32, #tpu.memory_space<vmem>>, vector<1x2048xf32>,
      %get3A_88 = arith.constant 2 : index
      %get3A_89 = arith.constant 0 : index
      %get3A_90 = vector.load %arg2[%get3A_88, %get3A_89] : memref<16x2048xf32, #tpu.memory_space<vmem>>, vector<1x2048xf32>
      %get3A_91 = vector.shape_cast %get3A_90 : vector<1x2048xf32> to vector<2048xf32>
      %broadcast_in_dim3A_92 = vector.shape_cast %get3A_91 : vector<2048xf32> to vector<1x2048xf32>
      %get3A_93 = arith.constant 2 : index
      %get3A_94 = arith.constant 0 : index
      %get3A_95 = vector.load %arg4[%get3A_93, %get3A_94] : memref<16x2048xf32, #tpu.memory_space<vmem>>, vector<1x2048xf32>
      %get3A_96 = vector.shape_cast %get3A_95 : vector<1x2048xf32> to vector<2048xf32>
      %gt3A_97 = vector.broadcast %broadcast_in_dim3A_92 : vector<1x2048xf32> to vector<256x2048xf32>
      %gt3A_98 = arith.cmpf ogt, %get3A_45, %gt3A_97 : vector<256x2048xf32>
      %jit3A_99 = arith.constant 1.000000e+00 : f32
      %jit3A_100 = arith.constant 0.000000e+00 : f32
      %broadcast_in_dim3A_101 = vector.broadcast %jit3A_99 : f32 to vector<256x2048xf32>
      %broadcast_in_dim3A_102 = vector.broadcast %jit3A_100 : f32 to vector<256x2048xf32>
      %select_n3A_103 = arith.select %gt3A_98, %broadcast_in_dim3A_101, %broadcast_in_dim3A_102 : vector<256x2048xi1>, vector<256x2048xf32>
      %reduce_sum3A_104 = arith.constant dense<0.000000e+00> : vector<2048xf32>
      %reduce_sum3A_105 = vector.multi_reduction <add>, %select_n3A_103, %reduce_sum3A_104 [0] : vector<256x2048xf32> to vector<2048xf32>
      %add3A_106 = arith.addf %get3A_96, %reduce_sum3A_105 : vector<2048xf32>
      %swap3A_107 = arith.constant 2 : index
      %swap3A_108 = arith.constant 0 : index
      %swap3A_109 = vector.load %arg4[%swap3A_107, %swap3A_108] : memref<16x2048xf32, #tpu.memory_space<vmem>>, vector<1x2048xf32>
      %swap3A_110 = vector.shape_cast %swap3A_109 : vector<1x2048xf32> to vector<2048xf32>
      %swap3A_111 = vector.shape_cast %add3A_106 : vector<2048xf32> to vector<1x2048xf32>
      tpu.vector_store %arg4[%swap3A_107, %swap3A_108], %swap3A_111 {strides = array<i32>} : memref<16x2048xf32, #tpu.memory_space<vmem>>, vector<1x2048xf32>,
      %get3A_112 = arith.constant 3 : index
      %get3A_113 = arith.constant 0 : index
      %get3A_114 = vector.load %arg2[%get3A_112, %get3A_113] : memref<16x2048xf32, #tpu.memory_space<vmem>>, vector<1x2048xf32>
      %get3A_115 = vector.shape_cast %get3A_114 : vector<1x2048xf32> to vector<2048xf32>
      %broadcast_in_dim3A_116 = vector.shape_cast %get3A_115 : vector<2048xf32> to vector<1x2048xf32>
      %get3A_117 = arith.constant 3 : index
      %get3A_118 = arith.constant 0 : index
      %get3A_119 = vector.load %arg4[%get3A_117, %get3A_118] : memref<16x2048xf32, #tpu.memory_space<vmem>>, vector<1x2048xf32>
      %get3A_120 = vector.shape_cast %get3A_119 : vector<1x2048xf32> to vector<2048xf32>
      %gt3A_121 = vector.broadcast %broadcast_in_dim3A_116 : vector<1x2048xf32> to vector<256x2048xf32>
      %gt3A_122 = arith.cmpf ogt, %get3A_45, %gt3A_121 : vector<256x2048xf32>
      %jit3A_123 = arith.constant 1.000000e+00 : f32
      %jit3A_124 = arith.constant 0.000000e+00 : f32
      %broadcast_in_dim3A_125 = vector.broadcast %jit3A_123 : f32 to vector<256x2048xf32>
      %broadcast_in_dim3A_126 = vector.broadcast %jit3A_124 : f32 to vector<256x2048xf32>
      %select_n3A_127 = arith.select %gt3A_122, %broadcast_in_dim3A_125, %broadcast_in_dim3A_126 : vector<256x2048xi1>, vector<256x2048xf32>
      %reduce_sum3A_128 = arith.constant dense<0.000000e+00> : vector<2048xf32>
      %reduce_sum3A_129 = vector.multi_reduction <add>, %select_n3A_127, %reduce_sum3A_128 [0] : vector<256x2048xf32> to vector<2048xf32>
      %add3A_130 = arith.addf %get3A_120, %reduce_sum3A_129 : vector<2048xf32>
      %swap3A_131 = arith.constant 3 : index
      %swap3A_132 = arith.constant 0 : index
      %swap3A_133 = vector.load %arg4[%swap3A_131, %swap3A_132] : memref<16x2048xf32, #tpu.memory_space<vmem>>, vector<1x2048xf32>
      %swap3A_134 = vector.shape_cast %swap3A_133 : vector<1x2048xf32> to vector<2048xf32>
      %swap3A_135 = vector.shape_cast %add3A_130 : vector<2048xf32> to vector<1x2048xf32>
      tpu.vector_store %arg4[%swap3A_131, %swap3A_132], %swap3A_135 {strides = array<i32>} : memref<16x2048xf32, #tpu.memory_space<vmem>>, vector<1x2048xf32>,
      %get3A_136 = arith.constant 4 : index
      %get3A_137 = arith.constant 0 : index
      %get3A_138 = vector.load %arg2[%get3A_136, %get3A_137] : memref<16x2048xf32, #tpu.memory_space<vmem>>, vector<1x2048xf32>
      %get3A_139 = vector.shape_cast %get3A_138 : vector<1x2048xf32> to vector<2048xf32>
      %broadcast_in_dim3A_140 = vector.shape_cast %get3A_139 : vector<2048xf32> to vector<1x2048xf32>
      %get3A_141 = arith.constant 4 : index
      %get3A_142 = arith.constant 0 : index
      %get3A_143 = vector.load %arg4[%get3A_141, %get3A_142] : memref<16x2048xf32, #tpu.memory_space<vmem>>, vector<1x2048xf32>
      %get3A_144 = vector.shape_cast %get3A_143 : vector<1x2048xf32> to vector<2048xf32>
      %gt3A_145 = vector.broadcast %broadcast_in_dim3A_140 : vector<1x2048xf32> to vector<256x2048xf32>
      %gt3A_146 = arith.cmpf ogt, %get3A_45, %gt3A_145 : vector<256x2048xf32>
      %jit3A_147 = arith.constant 1.000000e+00 : f32
      %jit3A_148 = arith.constant 0.000000e+00 : f32
      %broadcast_in_dim3A_149 = vector.broadcast %jit3A_147 : f32 to vector<256x2048xf32>
      %broadcast_in_dim3A_150 = vector.broadcast %jit3A_148 : f32 to vector<256x2048xf32>
      %select_n3A_151 = arith.select %gt3A_146, %broadcast_in_dim3A_149, %broadcast_in_dim3A_150 : vector<256x2048xi1>, vector<256x2048xf32>
      %reduce_sum3A_152 = arith.constant dense<0.000000e+00> : vector<2048xf32>
      %reduce_sum3A_153 = vector.multi_reduction <add>, %select_n3A_151, %reduce_sum3A_152 [0] : vector<256x2048xf32> to vector<2048xf32>
      %add3A_154 = arith.addf %get3A_144, %reduce_sum3A_153 : vector<2048xf32>
      %swap3A_155 = arith.constant 4 : index
      %swap3A_156 = arith.constant 0 : index
      %swap3A_157 = vector.load %arg4[%swap3A_155, %swap3A_156] : memref<16x2048xf32, #tpu.memory_space<vmem>>, vector<1x2048xf32>
      %swap3A_158 = vector.shape_cast %swap3A_157 : vector<1x2048xf32> to vector<2048xf32>
      %swap3A_159 = vector.shape_cast %add3A_154 : vector<2048xf32> to vector<1x2048xf32>
      tpu.vector_store %arg4[%swap3A_155, %swap3A_156], %swap3A_159 {strides = array<i32>} : memref<16x2048xf32, #tpu.memory_space<vmem>>, vector<1x2048xf32>,
      %get3A_160 = arith.constant 5 : index
      %get3A_161 = arith.constant 0 : index
      %get3A_162 = vector.load %arg2[%get3A_160, %get3A_161] : memref<16x2048xf32, #tpu.memory_space<vmem>>, vector<1x2048xf32>
      %get3A_163 = vector.shape_cast %get3A_162 : vector<1x2048xf32> to vector<2048xf32>
      %broadcast_in_dim3A_164 = vector.shape_cast %get3A_163 : vector<2048xf32> to vector<1x2048xf32>
      %get3A_165 = arith.constant 5 : index
      %get3A_166 = arith.constant 0 : index
      %get3A_167 = vector.load %arg4[%get3A_165, %get3A_166] : memref<16x2048xf32, #tpu.memory_space<vmem>>, vector<1x2048xf32>
      %get3A_168 = vector.shape_cast %get3A_167 : vector<1x2048xf32> to vector<2048xf32>
      %gt3A_169 = vector.broadcast %broadcast_in_dim3A_164 : vector<1x2048xf32> to vector<256x2048xf32>
      %gt3A_170 = arith.cmpf ogt, %get3A_45, %gt3A_169 : vector<256x2048xf32>
      %jit3A_171 = arith.constant 1.000000e+00 : f32
      %jit3A_172 = arith.constant 0.000000e+00 : f32
      %broadcast_in_dim3A_173 = vector.broadcast %jit3A_171 : f32 to vector<256x2048xf32>
      %broadcast_in_dim3A_174 = vector.broadcast %jit3A_172 : f32 to vector<256x2048xf32>
      %select_n3A_175 = arith.select %gt3A_170, %broadcast_in_dim3A_173, %broadcast_in_dim3A_174 : vector<256x2048xi1>, vector<256x2048xf32>
      %reduce_sum3A_176 = arith.constant dense<0.000000e+00> : vector<2048xf32>
      %reduce_sum3A_177 = vector.multi_reduction <add>, %select_n3A_175, %reduce_sum3A_176 [0] : vector<256x2048xf32> to vector<2048xf32>
      %add3A_178 = arith.addf %get3A_168, %reduce_sum3A_177 : vector<2048xf32>
      %swap3A_179 = arith.constant 5 : index
      %swap3A_180 = arith.constant 0 : index
      %swap3A_181 = vector.load %arg4[%swap3A_179, %swap3A_180] : memref<16x2048xf32, #tpu.memory_space<vmem>>, vector<1x2048xf32>
      %swap3A_182 = vector.shape_cast %swap3A_181 : vector<1x2048xf32> to vector<2048xf32>
      %swap3A_183 = vector.shape_cast %add3A_178 : vector<2048xf32> to vector<1x2048xf32>
      tpu.vector_store %arg4[%swap3A_179, %swap3A_180], %swap3A_183 {strides = array<i32>} : memref<16x2048xf32, #tpu.memory_space<vmem>>, vector<1x2048xf32>,
      %get3A_184 = arith.constant 6 : index
      %get3A_185 = arith.constant 0 : index
      %get3A_186 = vector.load %arg2[%get3A_184, %get3A_185] : memref<16x2048xf32, #tpu.memory_space<vmem>>, vector<1x2048xf32>
      %get3A_187 = vector.shape_cast %get3A_186 : vector<1x2048xf32> to vector<2048xf32>
      %broadcast_in_dim3A_188 = vector.shape_cast %get3A_187 : vector<2048xf32> to vector<1x2048xf32>
      %get3A_189 = arith.constant 6 : index
      %get3A_190 = arith.constant 0 : index
      %get3A_191 = vector.load %arg4[%get3A_189, %get3A_190] : memref<16x2048xf32, #tpu.memory_space<vmem>>, vector<1x2048xf32>
      %get3A_192 = vector.shape_cast %get3A_191 : vector<1x2048xf32> to vector<2048xf32>
      %gt3A_193 = vector.broadcast %broadcast_in_dim3A_188 : vector<1x2048xf32> to vector<256x2048xf32>
      %gt3A_194 = arith.cmpf ogt, %get3A_45, %gt3A_193 : vector<256x2048xf32>
      %jit3A_195 = arith.constant 1.000000e+00 : f32
      %jit3A_196 = arith.constant 0.000000e+00 : f32
      %broadcast_in_dim3A_197 = vector.broadcast %jit3A_195 : f32 to vector<256x2048xf32>
      %broadcast_in_dim3A_198 = vector.broadcast %jit3A_196 : f32 to vector<256x2048xf32>
      %select_n3A_199 = arith.select %gt3A_194, %broadcast_in_dim3A_197, %broadcast_in_dim3A_198 : vector<256x2048xi1>, vector<256x2048xf32>
      %reduce_sum3A_200 = arith.constant dense<0.000000e+00> : vector<2048xf32>
      %reduce_sum3A_201 = vector.multi_reduction <add>, %select_n3A_199, %reduce_sum3A_200 [0] : vector<256x2048xf32> to vector<2048xf32>
      %add3A_202 = arith.addf %get3A_192, %reduce_sum3A_201 : vector<2048xf32>
      %swap3A_203 = arith.constant 6 : index
      %swap3A_204 = arith.constant 0 : index
      %swap3A_205 = vector.load %arg4[%swap3A_203, %swap3A_204] : memref<16x2048xf32, #tpu.memory_space<vmem>>, vector<1x2048xf32>
      %swap3A_206 = vector.shape_cast %swap3A_205 : vector<1x2048xf32> to vector<2048xf32>
      %swap3A_207 = vector.shape_cast %add3A_202 : vector<2048xf32> to vector<1x2048xf32>
      tpu.vector_store %arg4[%swap3A_203, %swap3A_204], %swap3A_207 {strides = array<i32>} : memref<16x2048xf32, #tpu.memory_space<vmem>>, vector<1x2048xf32>,
      %get3A_208 = arith.constant 7 : index
      %get3A_209 = arith.constant 0 : index
      %get3A_210 = vector.load %arg2[%get3A_208, %get3A_209] : memref<16x2048xf32, #tpu.memory_space<vmem>>, vector<1x2048xf32>
      %get3A_211 = vector.shape_cast %get3A_210 : vector<1x2048xf32> to vector<2048xf32>
      %broadcast_in_dim3A_212 = vector.shape_cast %get3A_211 : vector<2048xf32> to vector<1x2048xf32>
      %get3A_213 = arith.constant 7 : index
      %get3A_214 = arith.constant 0 : index
      %get3A_215 = vector.load %arg4[%get3A_213, %get3A_214] : memref<16x2048xf32, #tpu.memory_space<vmem>>, vector<1x2048xf32>
      %get3A_216 = vector.shape_cast %get3A_215 : vector<1x2048xf32> to vector<2048xf32>
      %gt3A_217 = vector.broadcast %broadcast_in_dim3A_212 : vector<1x2048xf32> to vector<256x2048xf32>
      %gt3A_218 = arith.cmpf ogt, %get3A_45, %gt3A_217 : vector<256x2048xf32>
      %jit3A_219 = arith.constant 1.000000e+00 : f32
      %jit3A_220 = arith.constant 0.000000e+00 : f32
      %broadcast_in_dim3A_221 = vector.broadcast %jit3A_219 : f32 to vector<256x2048xf32>
      %broadcast_in_dim3A_222 = vector.broadcast %jit3A_220 : f32 to vector<256x2048xf32>
      %select_n3A_223 = arith.select %gt3A_218, %broadcast_in_dim3A_221, %broadcast_in_dim3A_222 : vector<256x2048xi1>, vector<256x2048xf32>
      %reduce_sum3A_224 = arith.constant dense<0.000000e+00> : vector<2048xf32>
      %reduce_sum3A_225 = vector.multi_reduction <add>, %select_n3A_223, %reduce_sum3A_224 [0] : vector<256x2048xf32> to vector<2048xf32>
      %add3A_226 = arith.addf %get3A_216, %reduce_sum3A_225 : vector<2048xf32>
      %swap3A_227 = arith.constant 7 : index
      %swap3A_228 = arith.constant 0 : index
      %swap3A_229 = vector.load %arg4[%swap3A_227, %swap3A_228] : memref<16x2048xf32, #tpu.memory_space<vmem>>, vector<1x2048xf32>
      %swap3A_230 = vector.shape_cast %swap3A_229 : vector<1x2048xf32> to vector<2048xf32>
      %swap3A_231 = vector.shape_cast %add3A_226 : vector<2048xf32> to vector<1x2048xf32>
      tpu.vector_store %arg4[%swap3A_227, %swap3A_228], %swap3A_231 {strides = array<i32>} : memref<16x2048xf32, #tpu.memory_space<vmem>>, vector<1x2048xf32>,
      %get3A_232 = arith.constant 8 : index
      %get3A_233 = arith.constant 0 : index
      %get3A_234 = vector.load %arg2[%get3A_232, %get3A_233] : memref<16x2048xf32, #tpu.memory_space<vmem>>, vector<1x2048xf32>
      %get3A_235 = vector.shape_cast %get3A_234 : vector<1x2048xf32> to vector<2048xf32>
      %broadcast_in_dim3A_236 = vector.shape_cast %get3A_235 : vector<2048xf32> to vector<1x2048xf32>
      %get3A_237 = arith.constant 8 : index
      %get3A_238 = arith.constant 0 : index
      %get3A_239 = vector.load %arg4[%get3A_237, %get3A_238] : memref<16x2048xf32, #tpu.memory_space<vmem>>, vector<1x2048xf32>
      %get3A_240 = vector.shape_cast %get3A_239 : vector<1x2048xf32> to vector<2048xf32>
      %gt3A_241 = vector.broadcast %broadcast_in_dim3A_236 : vector<1x2048xf32> to vector<256x2048xf32>
      %gt3A_242 = arith.cmpf ogt, %get3A_45, %gt3A_241 : vector<256x2048xf32>
      %jit3A_243 = arith.constant 1.000000e+00 : f32
      %jit3A_244 = arith.constant 0.000000e+00 : f32
      %broadcast_in_dim3A_245 = vector.broadcast %jit3A_243 : f32 to vector<256x2048xf32>
      %broadcast_in_dim3A_246 = vector.broadcast %jit3A_244 : f32 to vector<256x2048xf32>
      %select_n3A_247 = arith.select %gt3A_242, %broadcast_in_dim3A_245, %broadcast_in_dim3A_246 : vector<256x2048xi1>, vector<256x2048xf32>
      %reduce_sum3A_248 = arith.constant dense<0.000000e+00> : vector<2048xf32>
      %reduce_sum3A_249 = vector.multi_reduction <add>, %select_n3A_247, %reduce_sum3A_248 [0] : vector<256x2048xf32> to vector<2048xf32>
      %add3A_250 = arith.addf %get3A_240, %reduce_sum3A_249 : vector<2048xf32>
      %swap3A_251 = arith.constant 8 : index
      %swap3A_252 = arith.constant 0 : index
      %swap3A_253 = vector.load %arg4[%swap3A_251, %swap3A_252] : memref<16x2048xf32, #tpu.memory_space<vmem>>, vector<1x2048xf32>
      %swap3A_254 = vector.shape_cast %swap3A_253 : vector<1x2048xf32> to vector<2048xf32>
      %swap3A_255 = vector.shape_cast %add3A_250 : vector<2048xf32> to vector<1x2048xf32>
      tpu.vector_store %arg4[%swap3A_251, %swap3A_252], %swap3A_255 {strides = array<i32>} : memref<16x2048xf32, #tpu.memory_space<vmem>>, vector<1x2048xf32>,
    } else {
    }
    %mul3A_15 = arith.constant 256 : i32
    %mul3A_16 = arith.muli %arg0, %mul3A_15 : i32
    %dma_start3A = tpu.memref_slice %arg7[%rem3A_0] : memref<6x!tpu.dma_semaphore, #tpu.memory_space<semaphore_mem>> -> memref<1x!tpu.dma_semaphore, #tpu.memory_space<semaphore_mem>>
    %dma_start3A_17 = tpu.memref_squeeze %dma_start3A : memref<1x!tpu.dma_semaphore, #tpu.memory_space<semaphore_mem>> -> memref<!tpu.dma_semaphore, #tpu.memory_space<semaphore_mem>>
    %dma_start3A_18 = arith.constant 0 : i32
    %dma_start3A_19 = tpu.memref_slice %arg3[%mul3A_16, %dma_start3A_18] : memref<16384x2048xf32, #tpu.memory_space<hbm>> -> memref<256x2048xf32, #tpu.memory_space<hbm>>
    %dma_start3A_20 = arith.constant 0 : i32
    %dma_start3A_21 = arith.constant 0 : i32
    %dma_start3A_22 = tpu.memref_slice %arg5[%rem3A_0, %dma_start3A_20, %dma_start3A_21] : memref<6x256x2048xf32, #tpu.memory_space<vmem>> -> memref<1x256x2048xf32, #tpu.memory_space<vmem>>
    %dma_start3A_23 = tpu.memref_squeeze %dma_start3A_22 : memref<1x256x2048xf32, #tpu.memory_space<vmem>> -> memref<256x2048xf32, #tpu.memory_space<vmem>>
    tpu.enqueue_dma source(%dma_start3A_23 : memref<256x2048xf32, #tpu.memory_space<vmem>>) target(%dma_start3A_19 : memref<256x2048xf32, #tpu.memory_space<hbm>>) target_semaphore(%dma_start3A_17 : memref<!tpu.dma_semaphore, #tpu.memory_space<semaphore_mem>>)
    %add3A = arith.constant 6 : i32
    %add3A_24 = arith.addi %arg0, %add3A : i32
    %sub3A = arith.constant 2 : i32
    %sub3A_25 = arith.subi %add3A_24, %sub3A : i32
    %rem3A_26 = arith.constant 6 : i32
    %rem3A_27 = arith.remsi %sub3A_25, %rem3A_26 : i32
    %add3A_28 = arith.constant 6 : i32
    %add3A_29 = arith.addi %arg0, %add3A_28 : i32
    %sub3A_30 = arith.constant 2 : i32
    %sub3A_31 = arith.subi %add3A_29, %sub3A_30 : i32
    %lt3A_32 = arith.constant 64 : i32
    %lt3A_33 = arith.cmpi slt, %sub3A_31, %lt3A_32 : i32
    %convert_element_type3A_34 = arith.extui %lt3A_33 : i1 to i32
    %cond3A_35 = arith.constant 0 : i32
    %cond3A_36 = arith.cmpi ne, %convert_element_type3A_34, %cond3A_35 : i32
    scf.if %cond3A_36 {
      %ge3A = arith.constant 2 : i32
      %ge3A_42 = arith.cmpi sge, %arg0, %ge3A : i32
      %convert_element_type3A_43 = arith.extui %ge3A_42 : i1 to i32
      %cond3A_44 = arith.constant 0 : i32
      %cond3A_45 = arith.cmpi ne, %convert_element_type3A_43, %cond3A_44 : i32
      scf.if %cond3A_45 {
        %sub3A_60 = arith.constant 2 : i32
        %sub3A_61 = arith.subi %arg0, %sub3A_60 : i32
        %mul3A_62 = arith.constant 256 : i32
        %mul3A_63 = arith.muli %sub3A_61, %mul3A_62 : i32
        %dma_wait3A_64 = tpu.memref_slice %arg7[%rem3A_27] : memref<6x!tpu.dma_semaphore, #tpu.memory_space<semaphore_mem>> -> memref<1x!tpu.dma_semaphore, #tpu.memory_space<semaphore_mem>>
        %dma_wait3A_65 = tpu.memref_squeeze %dma_wait3A_64 : memref<1x!tpu.dma_semaphore, #tpu.memory_space<semaphore_mem>> -> memref<!tpu.dma_semaphore, #tpu.memory_space<semaphore_mem>>
        %dma_wait3A_66 = arith.constant 0 : i32
        %dma_wait3A_67 = tpu.memref_slice %arg3[%mul3A_63, %dma_wait3A_66] : memref<16384x2048xf32, #tpu.memory_space<hbm>> -> memref<256x2048xf32, #tpu.memory_space<hbm>>
        %dma_wait3A_68 = arith.constant 0 : i32
        %dma_wait3A_69 = arith.constant 0 : i32
        %dma_wait3A_70 = tpu.memref_slice %arg5[%rem3A_27, %dma_wait3A_68, %dma_wait3A_69] : memref<6x256x2048xf32, #tpu.memory_space<vmem>> -> memref<1x256x2048xf32, #tpu.memory_space<vmem>>
        %dma_wait3A_71 = tpu.memref_squeeze %dma_wait3A_70 : memref<1x256x2048xf32, #tpu.memory_space<vmem>> -> memref<256x2048xf32, #tpu.memory_space<vmem>>
        tpu.wait_dma2 semaphore(%dma_wait3A_65 : memref<!tpu.dma_semaphore, #tpu.memory_space<semaphore_mem>>) src(%dma_wait3A_71 : memref<256x2048xf32, #tpu.memory_space<vmem>>) dst(%dma_wait3A_67 : memref<256x2048xf32, #tpu.memory_space<hbm>>)
      } else {
      }
      %add3A_46 = arith.constant 6 : i32
      %add3A_47 = arith.addi %arg0, %add3A_46 : i32
      %sub3A_48 = arith.constant 2 : i32
      %sub3A_49 = arith.subi %add3A_47, %sub3A_48 : i32
      %mul3A_50 = arith.constant 256 : i32
      %mul3A_51 = arith.muli %sub3A_49, %mul3A_50 : i32
      %dma_start3A_52 = tpu.memref_slice %arg6[%rem3A_27] : memref<6x!tpu.dma_semaphore, #tpu.memory_space<semaphore_mem>> -> memref<1x!tpu.dma_semaphore, #tpu.memory_space<semaphore_mem>>
      %dma_start3A_53 = tpu.memref_squeeze %dma_start3A_52 : memref<1x!tpu.dma_semaphore, #tpu.memory_space<semaphore_mem>> -> memref<!tpu.dma_semaphore, #tpu.memory_space<semaphore_mem>>
      %dma_start3A_54 = arith.constant 0 : i32
      %dma_start3A_55 = arith.constant 0 : i32
      %dma_start3A_56 = tpu.memref_slice %arg5[%rem3A_27, %dma_start3A_54, %dma_start3A_55] : memref<6x256x2048xf32, #tpu.memory_space<vmem>> -> memref<1x256x2048xf32, #tpu.memory_space<vmem>>
      %dma_start3A_57 = tpu.memref_squeeze %dma_start3A_56 : memref<1x256x2048xf32, #tpu.memory_space<vmem>> -> memref<256x2048xf32, #tpu.memory_space<vmem>>
      %dma_start3A_58 = arith.constant 0 : i32
      %dma_start3A_59 = tpu.memref_slice %arg1[%mul3A_51, %dma_start3A_58] : memref<16384x2048xf32, #tpu.memory_space<hbm>> -> memref<256x2048xf32, #tpu.memory_space<hbm>>
      tpu.enqueue_dma source(%dma_start3A_59 : memref<256x2048xf32, #tpu.memory_space<hbm>>) target(%dma_start3A_57 : memref<256x2048xf32, #tpu.memory_space<vmem>>) target_semaphore(%dma_start3A_53 : memref<!tpu.dma_semaphore, #tpu.memory_space<semaphore_mem>>)
    } else {
    }
    %eq3A_37 = arith.constant 63 : i32
    %eq3A_38 = arith.cmpi eq, %arg0, %eq3A_37 : i32
    %convert_element_type3A_39 = arith.extui %eq3A_38 : i1 to i32
    %cond3A_40 = arith.constant 0 : i32
    %cond3A_41 = arith.cmpi ne, %convert_element_type3A_39, %cond3A_40 : i32
    scf.if %cond3A_41 {
      %dma_wait3A_42 = arith.constant 4 : i32
      %dma_wait3A_43 = arith.constant 4 : i32
      %dma_wait3A_44 = tpu.memref_slice %arg7[%dma_wait3A_43] : memref<6x!tpu.dma_semaphore, #tpu.memory_space<semaphore_mem>> -> memref<1x!tpu.dma_semaphore, #tpu.memory_space<semaphore_mem>>
      %dma_wait3A_45 = tpu.memref_squeeze %dma_wait3A_44 : memref<1x!tpu.dma_semaphore, #tpu.memory_space<semaphore_mem>> -> memref<!tpu.dma_semaphore, #tpu.memory_space<semaphore_mem>>
      %dma_wait3A_46 = arith.constant 14848 : i32
      %dma_wait3A_47 = arith.constant 0 : i32
      %dma_wait3A_48 = tpu.memref_slice %arg3[%dma_wait3A_46, %dma_wait3A_47] : memref<16384x2048xf32, #tpu.memory_space<hbm>> -> memref<256x2048xf32, #tpu.memory_space<hbm>>
      %dma_wait3A_49 = arith.constant 0 : i32
      %dma_wait3A_50 = arith.constant 0 : i32
      %dma_wait3A_51 = tpu.memref_slice %arg5[%dma_wait3A_42, %dma_wait3A_49, %dma_wait3A_50] : memref<6x256x2048xf32, #tpu.memory_space<vmem>> -> memref<1x256x2048xf32, #tpu.memory_space<vmem>>
      %dma_wait3A_52 = tpu.memref_squeeze %dma_wait3A_51 : memref<1x256x2048xf32, #tpu.memory_space<vmem>> -> memref<256x2048xf32, #tpu.memory_space<vmem>>
      tpu.wait_dma2 semaphore(%dma_wait3A_45 : memref<!tpu.dma_semaphore, #tpu.memory_space<semaphore_mem>>) src(%dma_wait3A_52 : memref<256x2048xf32, #tpu.memory_space<vmem>>) dst(%dma_wait3A_48 : memref<256x2048xf32, #tpu.memory_space<hbm>>)
      %dma_wait3A_53 = arith.constant 5 : i32
      %dma_wait3A_54 = arith.constant 5 : i32
      %dma_wait3A_55 = tpu.memref_slice %arg7[%dma_wait3A_54] : memref<6x!tpu.dma_semaphore, #tpu.memory_space<semaphore_mem>> -> memref<1x!tpu.dma_semaphore, #tpu.memory_space<semaphore_mem>>
      %dma_wait3A_56 = tpu.memref_squeeze %dma_wait3A_55 : memref<1x!tpu.dma_semaphore, #tpu.memory_space<semaphore_mem>> -> memref<!tpu.dma_semaphore, #tpu.memory_space<semaphore_mem>>
      %dma_wait3A_57 = arith.constant 15104 : i32
      %dma_wait3A_58 = arith.constant 0 : i32
      %dma_wait3A_59 = tpu.memref_slice %arg3[%dma_wait3A_57, %dma_wait3A_58] : memref<16384x2048xf32, #tpu.memory_space<hbm>> -> memref<256x2048xf32, #tpu.memory_space<hbm>>
      %dma_wait3A_60 = arith.constant 0 : i32
      %dma_wait3A_61 = arith.constant 0 : i32
      %dma_wait3A_62 = tpu.memref_slice %arg5[%dma_wait3A_53, %dma_wait3A_60, %dma_wait3A_61] : memref<6x256x2048xf32, #tpu.memory_space<vmem>> -> memref<1x256x2048xf32, #tpu.memory_space<vmem>>
      %dma_wait3A_63 = tpu.memref_squeeze %dma_wait3A_62 : memref<1x256x2048xf32, #tpu.memory_space<vmem>> -> memref<256x2048xf32, #tpu.memory_space<vmem>>
      tpu.wait_dma2 semaphore(%dma_wait3A_56 : memref<!tpu.dma_semaphore, #tpu.memory_space<semaphore_mem>>) src(%dma_wait3A_63 : memref<256x2048xf32, #tpu.memory_space<vmem>>) dst(%dma_wait3A_59 : memref<256x2048xf32, #tpu.memory_space<hbm>>)
      %dma_wait3A_64 = arith.constant 0 : i32
      %dma_wait3A_65 = arith.constant 0 : i32
      %dma_wait3A_66 = tpu.memref_slice %arg7[%dma_wait3A_65] : memref<6x!tpu.dma_semaphore, #tpu.memory_space<semaphore_mem>> -> memref<1x!tpu.dma_semaphore, #tpu.memory_space<semaphore_mem>>
      %dma_wait3A_67 = tpu.memref_squeeze %dma_wait3A_66 : memref<1x!tpu.dma_semaphore, #tpu.memory_space<semaphore_mem>> -> memref<!tpu.dma_semaphore, #tpu.memory_space<semaphore_mem>>
      %dma_wait3A_68 = arith.constant 15360 : i32
      %dma_wait3A_69 = arith.constant 0 : i32
      %dma_wait3A_70 = tpu.memref_slice %arg3[%dma_wait3A_68, %dma_wait3A_69] : memref<16384x2048xf32, #tpu.memory_space<hbm>> -> memref<256x2048xf32, #tpu.memory_space<hbm>>
      %dma_wait3A_71 = arith.constant 0 : i32
      %dma_wait3A_72 = arith.constant 0 : i32
      %dma_wait3A_73 = tpu.memref_slice %arg5[%dma_wait3A_64, %dma_wait3A_71, %dma_wait3A_72] : memref<6x256x2048xf32, #tpu.memory_space<vmem>> -> memref<1x256x2048xf32, #tpu.memory_space<vmem>>
      %dma_wait3A_74 = tpu.memref_squeeze %dma_wait3A_73 : memref<1x256x2048xf32, #tpu.memory_space<vmem>> -> memref<256x2048xf32, #tpu.memory_space<vmem>>
      tpu.wait_dma2 semaphore(%dma_wait3A_67 : memref<!tpu.dma_semaphore, #tpu.memory_space<semaphore_mem>>) src(%dma_wait3A_74 : memref<256x2048xf32, #tpu.memory_space<vmem>>) dst(%dma_wait3A_70 : memref<256x2048xf32, #tpu.memory_space<hbm>>)
      %dma_wait3A_75 = arith.constant 1 : i32
      %dma_wait3A_76 = arith.constant 1 : i32
      %dma_wait3A_77 = tpu.memref_slice %arg7[%dma_wait3A_76] : memref<6x!tpu.dma_semaphore, #tpu.memory_space<semaphore_mem>> -> memref<1x!tpu.dma_semaphore, #tpu.memory_space<semaphore_mem>>
      %dma_wait3A_78 = tpu.memref_squeeze %dma_wait3A_77 : memref<1x!tpu.dma_semaphore, #tpu.memory_space<semaphore_mem>> -> memref<!tpu.dma_semaphore, #tpu.memory_space<semaphore_mem>>
      %dma_wait3A_79 = arith.constant 15616 : i32
      %dma_wait3A_80 = arith.constant 0 : i32
      %dma_wait3A_81 = tpu.memref_slice %arg3[%dma_wait3A_79, %dma_wait3A_80] : memref<16384x2048xf32, #tpu.memory_space<hbm>> -> memref<256x2048xf32, #tpu.memory_space<hbm>>
      %dma_wait3A_82 = arith.constant 0 : i32
      %dma_wait3A_83 = arith.constant 0 : i32
      %dma_wait3A_84 = tpu.memref_slice %arg5[%dma_wait3A_75, %dma_wait3A_82, %dma_wait3A_83] : memref<6x256x2048xf32, #tpu.memory_space<vmem>> -> memref<1x256x2048xf32, #tpu.memory_space<vmem>>
      %dma_wait3A_85 = tpu.memref_squeeze %dma_wait3A_84 : memref<1x256x2048xf32, #tpu.memory_space<vmem>> -> memref<256x2048xf32, #tpu.memory_space<vmem>>
      tpu.wait_dma2 semaphore(%dma_wait3A_78 : memref<!tpu.dma_semaphore, #tpu.memory_space<semaphore_mem>>) src(%dma_wait3A_85 : memref<256x2048xf32, #tpu.memory_space<vmem>>) dst(%dma_wait3A_81 : memref<256x2048xf32, #tpu.memory_space<hbm>>)
      %dma_wait3A_86 = arith.constant 2 : i32
      %dma_wait3A_87 = arith.constant 2 : i32
      %dma_wait3A_88 = tpu.memref_slice %arg7[%dma_wait3A_87] : memref<6x!tpu.dma_semaphore, #tpu.memory_space<semaphore_mem>> -> memref<1x!tpu.dma_semaphore, #tpu.memory_space<semaphore_mem>>
      %dma_wait3A_89 = tpu.memref_squeeze %dma_wait3A_88 : memref<1x!tpu.dma_semaphore, #tpu.memory_space<semaphore_mem>> -> memref<!tpu.dma_semaphore, #tpu.memory_space<semaphore_mem>>
      %dma_wait3A_90 = arith.constant 15872 : i32
      %dma_wait3A_91 = arith.constant 0 : i32
      %dma_wait3A_92 = tpu.memref_slice %arg3[%dma_wait3A_90, %dma_wait3A_91] : memref<16384x2048xf32, #tpu.memory_space<hbm>> -> memref<256x2048xf32, #tpu.memory_space<hbm>>
      %dma_wait3A_93 = arith.constant 0 : i32
      %dma_wait3A_94 = arith.constant 0 : i32
      %dma_wait3A_95 = tpu.memref_slice %arg5[%dma_wait3A_86, %dma_wait3A_93, %dma_wait3A_94] : memref<6x256x2048xf32, #tpu.memory_space<vmem>> -> memref<1x256x2048xf32, #tpu.memory_space<vmem>>
      %dma_wait3A_96 = tpu.memref_squeeze %dma_wait3A_95 : memref<1x256x2048xf32, #tpu.memory_space<vmem>> -> memref<256x2048xf32, #tpu.memory_space<vmem>>
      tpu.wait_dma2 semaphore(%dma_wait3A_89 : memref<!tpu.dma_semaphore, #tpu.memory_space<semaphore_mem>>) src(%dma_wait3A_96 : memref<256x2048xf32, #tpu.memory_space<vmem>>) dst(%dma_wait3A_92 : memref<256x2048xf32, #tpu.memory_space<hbm>>)
      %dma_wait3A_97 = arith.constant 3 : i32
      %dma_wait3A_98 = arith.constant 3 : i32
      %dma_wait3A_99 = tpu.memref_slice %arg7[%dma_wait3A_98] : memref<6x!tpu.dma_semaphore, #tpu.memory_space<semaphore_mem>> -> memref<1x!tpu.dma_semaphore, #tpu.memory_space<semaphore_mem>>
      %dma_wait3A_100 = tpu.memref_squeeze %dma_wait3A_99 : memref<1x!tpu.dma_semaphore, #tpu.memory_space<semaphore_mem>> -> memref<!tpu.dma_semaphore, #tpu.memory_space<semaphore_mem>>
      %dma_wait3A_101 = arith.constant 16128 : i32
      %dma_wait3A_102 = arith.constant 0 : i32
      %dma_wait3A_103 = tpu.memref_slice %arg3[%dma_wait3A_101, %dma_wait3A_102] : memref<16384x2048xf32, #tpu.memory_space<hbm>> -> memref<256x2048xf32, #tpu.memory_space<hbm>>
      %dma_wait3A_104 = arith.constant 0 : i32
      %dma_wait3A_105 = arith.constant 0 : i32
      %dma_wait3A_106 = tpu.memref_slice %arg5[%dma_wait3A_97, %dma_wait3A_104, %dma_wait3A_105] : memref<6x256x2048xf32, #tpu.memory_space<vmem>> -> memref<1x256x2048xf32, #tpu.memory_space<vmem>>
      %dma_wait3A_107 = tpu.memref_squeeze %dma_wait3A_106 : memref<1x256x2048xf32, #tpu.memory_space<vmem>> -> memref<256x2048xf32, #tpu.memory_space<vmem>>
      tpu.wait_dma2 semaphore(%dma_wait3A_100 : memref<!tpu.dma_semaphore, #tpu.memory_space<semaphore_mem>>) src(%dma_wait3A_107 : memref<256x2048xf32, #tpu.memory_space<vmem>>) dst(%dma_wait3A_103 : memref<256x2048xf32, #tpu.memory_space<hbm>>)
    } else {
    }
    return
  }
  func.func @transform_1(%arg0: i32) -> (i32, i32) {
    %c0_i32 = arith.constant 0 : i32
    %c0_i32_0 = arith.constant 0 : i32
    %c0_i32_1 = arith.constant 0 : i32
    return %c0_i32, %c0_i32_0 : i32, i32
  }
  func.func @transform_3(%arg0: i32) -> (i32, i32) {
    %c0_i32 = arith.constant 0 : i32
    %c0_i32_0 = arith.constant 0 : i32
    %c0_i32_1 = arith.constant 0 : i32
    return %c0_i32, %c0_i32_0 : i32, i32
  }
}

</mosaic_0001>

<sc_bundles>
// kernel: kernel.4.cloned.1.call-start
scs
__scs_entry_jumppad:
0x0: {  	(pc) =	sbr.rel $0x88, $3  }
0x1: {  	(tag) =	ssettag $0x0;
	lr =	simm.s32 $0x1  }
0x2: {  	[smem:$0x3F9B] =	sst lr;
	_ =	strace $0xD0000000  }
0x3: {  	_ = 	snop  }
0x4: {  	_ = 	snop  }
0x5: {  	_ = 	snop  }
0x6: {  	_ = 	snop  }
0x7: {  	_ = 	snop  }
__scs_overlays_trampoline_lowered:
0x8: {  	[smem:$0x3FAA] =	sst s0  }
0x9: {  	[smem:$0x3FAB] =	sst s1  }
0xa: {  	[smem:$0x3FAC] =	sst s2  }
0xb: {  	[smem:$0x3FAD] =	sst s3  }
0xc: {  	[smem:$0x3FAE] =	sst s4  }
0xd: {  	[smem:$0x3FAF] =	sst s5  }
0xe: {  	[smem:$0x3FB0] =	sst s6  }
0xf: {  	[smem:$0x3FB1] =	sst s7  }
0x10: {  	[smem:$0x3FB2] =	sst s8  }
0x11: {  	[smem:$0x3FB3] =	sst s9;
	s0 =	simm.s32 @!p0 $0x0  }
0x12: {  	s1 =	sld [smem:$0x3F99];
	s0 =	simm.s32 @p0 $0x1  }
0x13: {  	[smem:$0x3FB4] =	sst s0;
	s0 =	simm.s32 @!p1 $0x0  }
0x14: {  	s2 =	sld [smem:$0x3F98];
	s0 =	simm.s32 @p1 $0x1  }
0x15: {  	[smem:$0x3FB5] =	sst s0;
	s0 =	simm.s32 @!p2 $0x0  }
0x16: {  	s3 =	sld [smem:$0x3FDB];
	s0 =	simm.s32 @p2 $0x1  }
0x17: {  	s4 =	simm.s32 $0x1BF5;
	[smem:$0x3FB7] =	sst s0  }
0x18: {  	s0 =	sld [smem:$0x3F9A];
	_ =	swait.ge [sflag:s4], $0x0  }
0x19: {  	s7 =	sld [smem:$0x3F9B]  }
0x1a: {  	s8 =	sadd.s32 $0xFFFFE003, lr  }
0x1b: {  	s9 =	sadd.s32 $0xFFFFFEF7, lr;
	s5 =	simm.s32 $0xFFFFFFFF;
	p2 =	slt.u32 s8, $0xFFFFF086  }
0x1c: {  	p1 =	slt.u32 s9, $0xF7A;
	s5 =	simm.s32 @!p2 $0x0  }
0x1d: {  	s5 =	simm.s32 @p1 $0x1;
	p0 =	seq.s32 s7, s2  }
0x1e: {  	s7 =	smul.u32 @!p0 $0xF7A, s2;
	p2 =	seq.s32 @!p0 s5, $0x0  }
0x1f: {  	s9 =	smul.u32 $0xF7A, s1;
	s8 =	simm.s32 @!p0 $0x1BF5;
	p2 =	por !p2, p0  }
0x20: {  	[sflag:s8] =	ssyncset.s32 @!p0 $0xFFFFF086;
	s6 =	sadd.s32 @!p0 s3, s7;
	s7 =	simm.s32 @!p0 $0x108  }
0x21: {  	s3 =	sadd.s32 s3, s9;
	s6 =	sadd.s32 @!p0 $0x88, s6;
	s7 =	simm.s32 @p2 $0x1082  }
0x22: {  	[simem:s7], [sflag:s8] =	dma.local @!p0 [hbm:s6], $0xF7A  }
0x23: {  	s9 =	sor.u32 $0xD0000000, s2;
	s6 =	simm.s32 $0x108;
	_ =	swait.ge @!p0 [sflag:s8], $0x0  }
0x24: {  	s3 =	sadd.s32 $0x88, s3;
	s6 =	simm.s32 @!p1 $0x1082;
	[sflag:s4] =	ssyncset.s32 $0xFFFFF086  }
0x25: {  	[simem:s6], [sflag:s4] =	dma.local [hbm:s3], $0xF7A  }
0x26: {  	[smem:$0x3F9B] =	sst s1;
	(tag) =	ssettag s2;
	_ =	strace s9  }
0x27: {  	s1 =	sld [smem:$0x3FAB]  }
0x28: {  	s2 =	sld [smem:$0x3FAC]  }
0x29: {  	s4 =	sld [smem:$0x3FAE]  }
0x2a: {  	p0 =	seq.s32 s5, $0x0;
	s5 =	sld [smem:$0x3FAF]  }
0x2b: {  	s6 =	sld [smem:$0x3FB0]  }
0x2c: {  	s7 =	sld [smem:$0x3FB1]  }
0x2d: {  	s3 =	simm.s32 $0x108;
	s8 =	sld [smem:$0x3FB2]  }
0x2e: {  	s3 =	simm.s32 @!p0 $0x1082;
	s9 =	sld [smem:$0x3FB3]  }
0x2f: {  	lr =	sadd.s32 s0, s3;
	s0 =	sld [smem:$0x3FAA]  }
0x30: {  	s3 =	sld [smem:$0x3FAD]  }
0x31: {  	[smem:$0x3FB6] =	sst s10  }
0x32: {  	s10 =	sld [smem:$0x3FB4];
	_ =	sdelay $0x3  }
0x33: {  	p0 =	seq.s32 s10, $0x1;
	s10 =	sld [smem:$0x3FB6];
	_ =	sdelay $0x3  }
0x34: {  	[smem:$0x3FB6] =	sst s10  }
0x35: {  	s10 =	sld [smem:$0x3FB5];
	_ =	sdelay $0x3  }
0x36: {  	p1 =	seq.s32 s10, $0x1;
	s10 =	sld [smem:$0x3FB6];
	_ =	sdelay $0x3  }
0x37: {  	[smem:$0x3FB6] =	sst s10  }
0x38: {  	s10 =	sld [smem:$0x3FB7]  }
0x39: {  	_ = 	snop;
	(pc) =	sbr.ind lr, $3  }
0x3a: {  	_ = 	snop  }
0x3b: {  	_ = 	snop  }
0x3c: {  	p2 =	seq.s32 s10, $0x1;
	s10 =	sld [smem:$0x3FB6]  }
0x3d: {  	_ =	shalt  }
0x3e: {  	_ =	shalt  }
0x3f: {  	_ =	shalt  }
0x40: {  	_ =	shalt  }
0x41: {  	_ =	shalt  }
0x42: {  	_ =	shalt  }
0x43: {  	_ =	shalt  }
0x44: {  	_ =	shalt  }
0x45: {  	_ =	shalt  }
0x46: {  	_ =	shalt  }
0x47: {  	_ =	shalt  }
0x48: {  	_ =	shalt  }
0x49: {  	_ =	shalt  }
0x4a: {  	_ =	shalt  }
0x4b: {  	_ =	shalt  }
0x4c: {  	_ =	shalt  }
0x4d: {  	_ =	shalt  }
0x4e: {  	_ =	shalt  }
0x4f: {  	_ =	shalt  }
0x50: {  	_ =	shalt  }
0x51: {  	_ =	shalt  }
0x52: {  	_ =	shalt  }
0x53: {  	_ =	shalt  }
0x54: {  	_ =	shalt  }
0x55: {  	_ =	shalt  }
0x56: {  	_ =	shalt  }
0x57: {  	_ =	shalt  }
0x58: {  	_ =	shalt  }
0x59: {  	_ =	shalt  }
0x5a: {  	_ =	shalt  }
0x5b: {  	_ =	shalt  }
0x5c: {  	_ =	shalt  }
0x5d: {  	_ =	shalt  }
0x5e: {  	_ =	shalt  }
0x5f: {  	_ =	shalt  }
0x60: {  	_ =	shalt  }
0x61: {  	_ =	shalt  }
0x62: {  	_ =	shalt  }
0x63: {  	_ =	shalt  }
0x64: {  	_ =	shalt  }
0x65: {  	_ =	shalt  }
0x66: {  	_ =	shalt  }
0x67: {  	_ =	shalt  }
0x68: {  	_ =	shalt  }
0x69: {  	_ =	shalt  }
0x6a: {  	_ =	shalt  }
0x6b: {  	_ =	shalt  }
0x6c: {  	_ =	shalt  }
0x6d: {  	_ =	shalt  }
0x6e: {  	_ =	shalt  }
0x6f: {  	_ =	shalt  }
0x70: {  	_ =	shalt  }
0x71: {  	_ =	shalt  }
0x72: {  	_ =	shalt  }
0x73: {  	_ =	shalt  }
0x74: {  	_ =	shalt  }
0x75: {  	_ =	shalt  }
0x76: {  	_ =	shalt  }
0x77: {  	_ =	shalt  }
0x78: {  	_ =	shalt  }
0x79: {  	_ =	shalt  }
0x7a: {  	_ =	shalt  }
0x7b: {  	_ =	shalt  }
0x7c: {  	_ =	shalt  }
0x7d: {  	_ =	shalt  }
0x7e: {  	_ =	shalt  }
0x7f: {  	_ =	shalt  }
0x80: {  	_ =	shalt  }
0x81: {  	_ =	shalt  }
0x82: {  	_ =	shalt  }
0x83: {  	_ =	shalt  }
0x84: {  	_ =	shalt  }
0x85: {  	_ =	shalt  }
0x86: {  	_ =	shalt  }
0x87: {  	_ =	shalt  }
.Lfunc_end0:
.L_simem_size_0:
called_computation_lowered:
.L_overlay_start_0:
0x88: {  	s2 =	sld [smem:$0x3FD9]  }
0x89: {  	s3 =	sld [smem:$0x3FFE];
	_ =	sdelay $0x1  }
0x8a: {  	s1 =	srdreg.scid  }
0x8b: {  	s0 =	sand.u32 $0x1, s1  }
0x8c: {  	s14 =	sshll.u32 s0, $0xA;
	s2 =	sadd.s32 s3, s2  }
0x8d: {  	s2 =	sadd.s32 s2, s14  }
0x8e: {  	[smem:$0x3FC2] =	sst s2  }
0x8f: {  	_ = 	snop  }
0x90: {  	s2 =	sld [smem:$0x3FD0];
	_ =	sdelay $0x2  }
0x91: {  	s4 =	simm.s32 $0xA;
	s5 =	simm.s32 $0x10;
	s15 =	sld [smem:$0x3FC9]  }
0x92: {  	[smem:s5], [sflag:s4] =	dma.local [hbm:s2], $0x1  }
0x93: {  	_ =	swait.eq [sflag:s4], $0x1  }
0x94: {  	[sflag:s4] =	ssyncset.done $0x0  }
0x95: {  	[sflag:s4] =	ssyncadd.s32 $0xFFFFFFFF  }
0x96: {  	s16 =	sld [smem:$0x11];
	(tm) =	ssettm $0x1  }
0x97: {  	s17 =	sld [smem:$0x3FFB];
	_ =	sdelay $0x3  }
0x98: {  	_ =	strace s17  }
0x99: {  	s4 =	sld [smem:$0x3FFC];
	_ =	sdelay $0x3  }
0x9a: {  	_ =	strace s4  }
0x9b: {  	s4 =	sld [smem:$0x3FFD];
	_ =	sdelay $0x3  }
0x9c: {  	_ =	strace s4  }
0x9d: {  	_ =	strace $0x8FFFFFFF  }
0x9e: {  	s18 =	sld [smem:$0x3FDB];
	_ =	sdelay $0x1  }
0x9f: {  	s19 =	simm.s32 $_scs_section_size  }
0xa0: {  	s6 =	simm.s32 $_size__tile_overlayer_lowered;
	s7 =	simm.s32 $_tile_overlayer_lowered  }
0xa1: {  	s22 =	simm.s32 $0x1BFF;
	s21 =	sshll.u32 s7, $0x1;
	s4 =	sadd.s32 s19, s18  }
0xa2: {  	s8 =	simm.s32 $0x0;
	s20 =	sshll.u32 s6, $0x1;
	s6 =	sadd.s32 s21, s4  }
0xa3: {  	[timem:s8], [sflag:s22] =	dma.local [hbm:s6], s20  }
0xa4: {  	_ =	swait.ge [sflag:s22], s20  }
0xa5: {  	s5 =	ssub.s32 $0x0, s20;
	[sflag:s22] =	ssyncset.done $0x0  }
0xa6: {  	[sflag:s22] =	ssyncadd.s32 s5;
	_ =	sdelay $0x1  }
0xa7: {  	s23 =	simm.s32 $0x1B8B  }
0xa8: {  	_ =	swait.ge [sflag:s23], $0x1  }
0xa9: {  	[sflag:s23] =	ssyncset.done $0x0  }
0xaa: {  	s25 =	simm.s32 $0x1B8E;
	s24 =	sld [smem:$0x3FFE];
	[sflag:s23] =	ssyncadd.s32 $0xFFFFFFFF  }
0xab: {  	s26 =	simm.s32 $execute0_lowered;
	[smem:$0x3FD2] =	sst s25  }
0xac: {  	s6 =	sshll.u32 s26, $0x1;
	_ =	strace $0x80000046;
	[dreg:$0x1] =	wrdreg $0xFFFFFFFF  }
0xad: {  	s28 =	simm.s32 $_size_execute0_lowered;
	s4 =	sadd.s32 s4, s6;
	[dreg:$0x0] =	wrdreg $0x0  }
0xae: {  	s6 =	sshll.u32 s28, $0x1;
	[dreg:$0x2] =	wrdreg s4  }
0xaf: {  	[dreg:$0x3] =	wrdreg s6  }
0xb0: {  	[dreg:$0x4] =	wrdreg $0xC0  }
0xb1: {  	_ =	task [dreg:s8], $0x5FFFF  }
0xb2: {  	[dreg:$0x1] =	wrdreg $0xFFFFFFFF  }
0xb3: {  	[dreg:$0x0] =	wrdreg $0x60  }
0xb4: {  	[dreg:$0x2] =	wrdreg s15  }
0xb5: {  	[dreg:$0x3] =	wrdreg s16  }
0xb6: {  	[dreg:$0x4] =	wrdreg s24  }
0xb7: {  	[dreg:$0x5] =	wrdreg $0x9  }
0xb8: {  	_ =	task.clear_ibuf [dreg:s8], $0x6FFFF;
	_ =	strace $0x90000046  }
0xb9: {  	s29 =	simm.s32 $0x9;
	_ =	strace $0x80000048  }
0xba: {  	_ =	swait.ge [sflag:s29], $0x1  }
0xbb: {  	[sflag:s29] =	ssyncadd.s32 $0xFFFFFFFF  }
0xbc: {  	_ =	strace $0x90000048  }
0xbd: {  	_ =	sfence  }
0xbe: {  	s30 =	sld [smem:$0x0];
	_ =	sdelay $0x2  }
0xbf: {  	s31 =	sshll.u32 s1, $0xD;
	s1 =	sshrl.u32 s1, $0x2  }
0xc0: {  	s3 =	sand.u32 $0x4000, s31;
	s1 =	sadd.s32 s1, s30  }
0xc1: {  	s0 =	sor.u32 s3, s0;
	s1 =	sshll.u32 s1, $0x11  }
0xc2: {  	s0 =	sor.u32 s1, s0  }
0xc3: {  	s0 =	sadd.s32 $0x8F2B, s0  }
0xc4: {  	[sflag:s0] =	ssyncadd.remote.s32 $0x1  }
0xc5: {  	_ =	sfence.sel $0xFFFF  }
0xc6: {  	[dreg:$0x0] =	wrdreg $0xFFFFFFFF;
	(pc) =	sbr.abs _section_cstart, $3  }
0xc7: {  	[dreg:$0x1] =	wrdreg $0xFFFFFFFF  }
0xc8: {  	_ =	task.clear_ibuf [dreg:s8], $0x2FFFF;
	_ =	strace $0x9FFFFFFF  }
0xc9: {  	(tm) =	ssettm $0x7FFFFFFF  }
tec
execute0_lowered:
.L_overlay_start_1:
0x0: {  	(tag) =	ssettag $0x1  }
0x1: {  	s2 =	srdreg.scid;
	s1 =	rddreg [dreg:$0x0]  }
0x2: {  	s0 =	stileid.u32;
	s3 =	rddreg [dreg:$0x1]  }
0x3: {  	s7 =	rddreg [dreg:$0x2];
	s5 =	sand.u32 $0x1, s2;
	s24 =	sshll.u32 s0, $0x1  }
0x4: {  	s4 =	simm.s32 $0x0;
	s12 =	simm.s32 $0x10000;
	s6 =	sor.u32 s5, s24  }
0x5: {  	s13 =	simm.s32 $0x3;
	s14 =	simm.s32 $0x1;
	s8 =	smul.u32 $0xA00, s6  }
0x6: {  	s15 =	simm.s32 $0x11000;
	s16 =	simm.s32 $0x2;
	s9 =	smul.u32 $0x14000, s6  }
0x7: {  	s17 =	simm.s32 $0x0;
	s2 =	rddreg [dreg:$0x3];
	s10 =	smul.u32 $0xA0000, s6  }
0x8: {  	[smem:$0x7FF] =	sst s4;
	s5 =	ssub.s32 $0x2, s5;
	s26 =	smul.u32 $0x140, s6  }
.Ltmp0:
0x9: {  	_ =	strace $0x80000047;
	s25 =	sshrl.u32 s5, $0x1;
	(pc) =	sbr.rel .LBB2_1-.Ltmp0, $4  }
0xa: {  	s30 =	ssub.s32 s5, s25;
	s11 =	sadd.s32 s8, s7;
	s28 =	sadd.s32 s1, s9  }
0xb: {  	s29 =	sshrl.u32 s10, $0x3;
	s7 =	sadd.s32 $0x1820, s26;
	s8 =	sadd.s32 $0x1830, s26  }
0xc: {  	s10 =	smax.u32 s30, $0x1;
	s5 =	sadd.s32 $0x180000, s28;
	s31 =	sadd.s32 s1, s29  }
0xd: {  	v0 =	vimm.f32 $0.0e+00;
	v1 =	vlaneseq.u32;
	v2 =	vimm.f32 $1.000000000e+00;
	s9 =	sadd.s32 $0x800, s11;
	s11 =	simm.s32 $0x8000;
	s6 =	sadd.s32 $0x181000, s31  }
.LBB2_10:
0xe: {  	s17 =	sadd.s32 $0x1, s17  }
0xf: {  	p0 =	sne.s32 s17, s10  }
.Ltmp1:
0x10: {  	_ = 	snop;
	(pc) =	sbr.rel @!p0 .LBB2_11-.Ltmp1, $4  }
0x11: {  	[hbm4b:s9+s4] =	stream.linear.scatter [tilespmem:s15], [sflag:$0x3], $0x5000, $0x38;
	[tilespmem:$0x16000] =	vst v63  }
0x12: {  	_ =	swait.ge [sflag:s13], $0x5000  }
0x13: {  	[sflag:s13] =	ssyncset.done $0x0  }
0x14: {  	[sflag:s13] =	ssyncadd.s32 $0xFFFFB000  }
.LBB2_1:
0x15: {  	[tilespmem:s4], [sflag:$0x1] =	stream.linear.gather [hbm4b:s5+s4], $0x8000, $0x38;
	[tilespmem:$0x16000] =	vst v63  }
0x16: {  	_ = 	snop  }
0x17: {  	[tilespmem:s11], [sflag:$0x2] =	stream.linear.gather [hbm4b:s6+s4], $0x8000, $0x38;
	[tilespmem:$0x16000] =	vst v63  }
0x18: {  	_ = 	snop  }
0x19: {  	[tilespmem:s12], [sflag:$0x3] =	stream.linear.gather [hbm4b:s3+s4], $0x1000, $0x38;
	[tilespmem:$0x16000] =	vst v63  }
0x1a: {  	_ =	swait.ge [sflag:s13], $0x1000  }
0x1b: {  	[sflag:s13] =	ssyncset.done $0x0  }
0x1c: {  	s18 =	simm.s32 $0x40;
	s19 =	simm.s32 $0x0;
	[sflag:s13] =	ssyncadd.s32 $0xFFFFF000  }
.LBB2_2:
0x1d: {  	p0 =	sne.s32 s18, $0x13FC0;
	[tilespmem:s19+$0x11000] =	vst v0;
	s19 =	smov.u32 s18;
	s18 =	sadd.s32 $0x40, s18  }
.Ltmp2:
0x1e: {  	(pc) =	sbr.rel @p0 .LBB2_2-.Ltmp2, $2  }
0x1f: {  	_ =	sdelay $0x2  }
0x20: {  	s19 =	sshra.s32 s19, $0x2  }
0x21: {  	[tilespmem:s19+$0x11000] =	vst v0;
	s18 =	simm.s32 $0x0;
	s19 =	simm.s32 $0x0  }
.LBB2_4:
0x22: {  	_ =	swait.ge [sflag:s14], $0x8000  }
0x23: {  	s20 =	simm.s32 $0x10000;
	[sflag:s14] =	ssyncset.done $0x0  }
0x24: {  	s21 =	sand.u32 $0x70, s18;
	s22 =	sand.u32 $0x3C00, s18;
	[sflag:s14] =	ssyncadd.s32 $0xFFFF8000  }
0x25: {  	s29 =	sor.u32 s21, s22;
	v9 =	vld [tilespmem:s20+$0x0]  }
0x26: {  	v3 =	vld [tilespmem:s29+$0x4300]  }
0x27: {  	v5 =	vld [tilespmem:s29+$0x4200]  }
0x28: {  	v6 =	vld [tilespmem:s29+$0x4000]  }
0x29: {  	v7 =	vld [tilespmem:s29+$0x4280]  }
0x2a: {  	v10 =	vld [tilespmem:s29+$0x4080]  }
0x2b: {  	v11 =	vld [tilespmem:s29+$0x200]  }
0x2c: {  	v12 =	vld [tilespmem:s29+$0x4100]  }
0x2d: {  	v14 =	vld [tilespmem:s29+$0x100]  }
0x2e: {  	s30 =	sand.u32 $0x7F0, s18;
	v15 =	vld [tilespmem:s29+$0x0]  }
0x2f: {  	v4 =	vld [tilespmem:s30+$0x10800];
	v16 =	vmul.f32 v3, v9  }
0x30: {  	v13 =	vld [tilespmem:s29+$0x300];
	v17 =	vmul.f32 v5, v9;
	v5 =	vmul.f32 v7, v9  }
0x31: {  	v8 =	vld [tilespmem:s29+$0x4180];
	v20 =	vmul.f32 v10, v9;
	v7 =	vmul.f32 v12, v9  }
0x32: {  	v3 =	vld [tilespmem:s29+$0x180];
	v6 =	vmul.f32 v6, v9;
	v12 =	vmul.f32 v14, v9  }
0x33: {  	v10 =	vmul.f32 v11, v9;
	v11 =	vld [tilespmem:s29+$0x80];
	v14 =	vmul.f32 v15, v9  }
0x34: {  	s31 =	sand.u32 $0x7, s18;
	v15 =	vld [tilespmem:s29+$0x280];
	v19 =	vadd.f32 v6, v4;
	v6 =	vadd.f32 v12, v4  }
0x35: {  	s21 =	sshll.u32 s31, $0x4;
	v13 =	vmul.f32 v13, v9;
	v21 =	vadd.f32 v5, v4;
	v12 =	vadd.f32 v14, v4  }
0x36: {  	s21 =	sadd.s32 $0x0, s21;
	v8 =	vmul.f32 v8, v9;
	v5 =	vadd.f32 v16, v4;
	v10 =	vadd.f32 v10, v4  }
0x37: {  	s21 =	sor.u32 $0x380, s21;
	v14 =	vld [tilespmem:s29+$0x4380];
	v13 =	vadd.f32 v13, v4;
	v16 =	vmax.f32 v6, $0.0e+00;
	v18 =	vmul.f32 v3, v9  }
0x38: {  	v22 =	vld [tilespmem:s21+$0x0];
	v6 =	vadd.f32 v17, v4;
	v12 =	vmax.f32 v12, $0.0e+00;
	v10 =	vmax.f32 v10, $0.0e+00  }
0x39: {  	v11 =	vmul.f32 v11, v9;
	v15 =	vmul.f32 v15, v9;
	v18 =	vadd.f32 v18, v4  }
0x3a: {  	v62 =	vmax.f32 v19, $0.0e+00;
	v3 =	vor.u32 s18, v1;
	v19 =	vmin.f32 v10, $9.000000000e+00  }
0x3b: {  	v11 =	vadd.f32 v11, v4;
	v23 =	vadd.f32 v15, v4;
	v17 =	vmax.f32 v18, $0.0e+00  }
0x3c: {  	v18 =	vmin.f32 v12, $9.000000000e+00;
	v12 =	vadd.f32 v8, v4;
	v8 =	vmul.f32 v14, v9  }
0x3d: {  	v15 =	vmax.f32 v11, $0.0e+00;
	v11 =	vmin.f32 v16, $9.000000000e+00;
	v9 =	vmul.f32 v22, v9  }
0x3e: {  	v17 =	vmin.f32 v17, $9.000000000e+00;
	v14 =	vtrunc.f32 v18;
	v16 =	vtrunc.f32 v11  }
0x3f: {  	v18 =	vmax.f32 v23, $0.0e+00;
	v17 =	vtrunc.f32 v17;
	v14 =	vcvt.f32.s32 v14  }
0x40: {  	v16 =	vcvt.f32.s32 v16;
	v9 =	vadd.f32 v9, v4;
	v10 =	vmin.f32 v18, $9.000000000e+00  }
0x41: {  	v11 =	vmax.f32 v21, $0.0e+00;
	v17 =	vcvt.f32.s32 v17;
	v18 =	vtrunc.f32 v10  }
0x42: {  	v14 =	vshll.u32 v14, $0xB;
	v9 =	vmax.f32 v9, $0.0e+00;
	v10 =	vshll.u32 v16, $0xB  }
0x43: {  	v9 =	vmin.f32 v9, $9.000000000e+00;
	v63 =	vadd.s32 v3, v14;
	v10 =	vadd.s32 v3, v10  }
0x44: {  	v16 =	vshll.u32 v17, $0xB;
	v17 =	vcvt.f32.s32 v18;
	v9 =	vtrunc.f32 v9  }
0x45: {  	v14 =	vtrunc.f32 v19;
	v18 =	vmax.f32 v13, $0.0e+00;
	v9 =	vcvt.f32.s32 v9  }
0x46: {  	v13 =	vcvt.f32.s32 v14;
	v14 =	vmin.f32 v18, $9.000000000e+00;
	v19 =	vshll.u32 v17, $0xB  }
0x47: {  	s26 =	simm.s32 $0x10;
	v14 =	vtrunc.f32 v14;
	v17 =	vmin.f32 v62, $9.000000000e+00;
	v9 =	vshll.u32 v9, $0xB  }
0x48: {  	s22 =	simm.s32 $0x10010;
	s20 =	simm.s32 $0x80;
	s21 =	simm.s32 $0x1;
	v18 =	vcvt.f32.s32 v14;
	v14 =	vadd.f32 v20, v4;
	v9 =	vadd.s32 v3, v9;
	[tilespmem:v63+s15+$0x0] =	vst.idx.add.f32.msk $0xffff, v2  }
.LBB2_5:
0x49: {  	s23 =	sand.u32 $0x7, s21  }
0x4a: {  	s25 =	sand.u32 $0x70, s26;
	s28 =	sand.u32 $0x3C00, s20;
	v20 =	vshll.u32 v13, $0xB;
	v19 =	vadd.s32 v3, v19;
	v7 =	vadd.f32 v7, v4;
	s24 =	smov.u32 s26  }
0x4b: {  	v15 =	vmin.f32 v15, $9.000000000e+00;
	s29 =	sshll.u32 s23, $0x4;
	v13 =	vld [tilespmem:s22+$0x0];
	s25 =	sor.u32 s25, s28;
	s23 =	sadd.s32 $0x10, s26;
	v18 =	vshll.u32 v18, $0xB;
	v14 =	vmax.f32 v14, $0.0e+00  }
0x4c: {  	p0 =	sne.s32 s26, $0x7F0;
	v16 =	vadd.s32 v3, v16;
	s28 =	sadd.s32 s29, s20;
	v21 =	vld [tilespmem:s25+$0x4300];
	v18 =	vadd.s32 v3, v18;
	v14 =	vmin.f32 v14, $9.000000000e+00  }
0x4d: {  	v20 =	vadd.s32 v3, v20;
	s29 =	sand.u32 $0x7F0, s24;
	v7 =	vmax.f32 v7, $0.0e+00;
	s26 =	sor.u32 $0x380, s28;
	v22 =	vld [tilespmem:s25+$0x4200];
	v14 =	vtrunc.f32 v14  }
0x4e: {  	v17 =	vtrunc.f32 v17;
	v7 =	vmin.f32 v7, $9.000000000e+00;
	v23 =	vld [tilespmem:s25+$0x4000];
	v14 =	vcvt.f32.s32 v14  }
0x4f: {  	v12 =	vmax.f32 v12, $0.0e+00;
	v15 =	vtrunc.f32 v15;
	v7 =	vtrunc.f32 v7;
	v24 =	vld [tilespmem:s25+$0x4280]  }
0x50: {  	v12 =	vmin.f32 v12, $9.000000000e+00;
	v15 =	vcvt.f32.s32 v15;
	v25 =	vld [tilespmem:s25+$0x4180];
	v14 =	vshll.u32 v14, $0xB  }
0x51: {  	v12 =	vtrunc.f32 v12;
	v26 =	vld [tilespmem:s25+$0x4080];
	v21 =	vmul.f32 v21, v13;
	v27 =	vadd.s32 v3, v14  }
0x52: {  	v14 =	vshll.u32 v15, $0xB;
	v15 =	vcvt.f32.s32 v7;
	v28 =	vld [tilespmem:s25+$0x200];
	v22 =	vmul.f32 v22, v13  }
0x53: {  	v6 =	vmax.f32 v6, $0.0e+00;
	v17 =	vcvt.f32.s32 v17;
	v12 =	vcvt.f32.s32 v12;
	v7 =	vld [tilespmem:s25+$0x4100]  }
0x54: {  	v11 =	vmin.f32 v11, $9.000000000e+00;
	v6 =	vmin.f32 v6, $9.000000000e+00;
	v30 =	vadd.s32 v3, v14;
	v29 =	vld [tilespmem:s25+$0x300]  }
0x55: {  	v11 =	vtrunc.f32 v11;
	v6 =	vtrunc.f32 v6;
	v12 =	vshll.u32 v12, $0xB;
	v31 =	vld [tilespmem:s25+$0x100]  }
0x56: {  	v11 =	vcvt.f32.s32 v11;
	v6 =	vcvt.f32.s32 v6;
	v33 =	vadd.s32 v3, v12;
	v32 =	vld [tilespmem:s25+$0x0]  }
0x57: {  	v5 =	vmax.f32 v5, $0.0e+00;
	v8 =	vadd.f32 v8, v4;
	v12 =	vmul.f32 v24, v13  }
0x58: {  	v5 =	vmin.f32 v5, $9.000000000e+00;
	v11 =	vshll.u32 v11, $0xB;
	v6 =	vshll.u32 v6, $0xB;
	v4 =	vld [tilespmem:s29+$0x10800]  }
0x59: {  	v8 =	vmax.f32 v8, $0.0e+00;
	v14 =	vmul.f32 v26, v13;
	v7 =	vmul.f32 v7, v13;
	[tilespmem:v30+s15+$0x0] =	vst.idx.add.f32.msk $0xffff, v2  }
0x5a: {  	v8 =	vmin.f32 v8, $9.000000000e+00;
	v25 =	vmul.f32 v25, v13;
	v26 =	vmul.f32 v28, v13;
	v24 =	vld [tilespmem:s25+$0x180]  }
0x5b: {  	v17 =	vshll.u32 v17, $0xB;
	v8 =	vtrunc.f32 v8;
	v23 =	vmul.f32 v23, v13;
	[tilespmem:v10+s15+$0x0] =	vst.idx.add.f32.msk $0xffff, v2  }
0x5c: {  	v8 =	vcvt.f32.s32 v8;
	v30 =	vadd.s32 v3, v11;
	v10 =	vmul.f32 v32, v13;
	v28 =	vld [tilespmem:s25+$0x280]  }
0x5d: {  	v5 =	vtrunc.f32 v5;
	v11 =	vshll.u32 v15, $0xB;
	v32 =	vadd.s32 v3, v6;
	[tilespmem:v16+s15+$0x0] =	vst.idx.add.f32.msk $0xffff, v2  }
0x5e: {  	v11 =	vadd.s32 v3, v11;
	v6 =	vcvt.f32.s32 v5;
	v5 =	vshll.u32 v8, $0xB;
	v15 =	vld [tilespmem:s25+$0x80]  }
0x5f: {  	v8 =	vmul.f32 v31, v13;
	v31 =	vadd.s32 v3, v5;
	v16 =	vmul.f32 v29, v13;
	v29 =	vld [tilespmem:s25+$0x4380]  }
0x60: {  	v17 =	vadd.s32 v3, v17;
	v23 =	vadd.f32 v23, v4;
	v24 =	vmul.f32 v24, v13;
	v34 =	vld [tilespmem:s26+$0x0]  }
0x61: {  	v35 =	vor.u32 s24, v1;
	v8 =	vadd.f32 v8, v4;
	v36 =	vadd.f32 v12, v4;
	[tilespmem:v20+s15+$0x0] =	vst.idx.add.f32.msk $0xffff, v2  }
0x62: {  	v10 =	vadd.f32 v10, v4;
	v5 =	vadd.f32 v21, v4;
	v20 =	vshll.u32 v6, $0xB;
	[tilespmem:v19+s15+$0x0] =	vst.idx.add.f32.msk $0xffff, v2  }
0x63: {  	v6 =	vadd.f32 v22, v4;
	v19 =	vmax.f32 v8, $0.0e+00;
	v8 =	vadd.f32 v24, v4;
	[tilespmem:v18+s15+$0x0] =	vst.idx.add.f32.msk $0xffff, v2  }
0x64: {  	v10 =	vmax.f32 v10, $0.0e+00;
	v12 =	vmul.f32 v15, v13;
	v18 =	vadd.f32 v16, v4;
	[tilespmem:v9+s15+$0x0] =	vst.idx.add.f32.msk $0xffff, v2  }
0x65: {  	v9 =	vmin.f32 v10, $9.000000000e+00;
	v8 =	vmax.f32 v8, $0.0e+00;
	v10 =	vmul.f32 v28, v13;
	[tilespmem:v17+s15+$0x0] =	vst.idx.add.f32.msk $0xffff, v2  }
0x66: {  	v15 =	vadd.f32 v12, v4;
	v8 =	vmin.f32 v8, $9.000000000e+00;
	v12 =	vadd.f32 v25, v4;
	[tilespmem:v27+s15+$0x0] =	vst.idx.add.f32.msk $0xffff, v2  }
0x67: {  	v16 =	vtrunc.f32 v8;
	v10 =	vadd.f32 v10, v4;
	v8 =	vmul.f32 v29, v13;
	[tilespmem:v11+s15+$0x0] =	vst.idx.add.f32.msk $0xffff, v2  }
0x68: {  	v9 =	vtrunc.f32 v9;
	v17 =	vadd.s32 v3, v20;
	v3 =	vmovc v35;
	v15 =	vmax.f32 v15, $0.0e+00;
	[tilespmem:v33+s15+$0x0] =	vst.idx.add.f32.msk $0xffff, v2  }
0x69: {  	v13 =	vmul.f32 v34, v13;
	v11 =	vmin.f32 v19, $9.000000000e+00;
	v19 =	vadd.f32 v26, v4;
	[tilespmem:v32+s15+$0x0] =	vst.idx.add.f32.msk $0xffff, v2  }
0x6a: {  	v9 =	vcvt.f32.s32 v9;
	v20 =	vtrunc.f32 v11;
	v11 =	vmax.f32 v36, $0.0e+00;
	[tilespmem:v30+s15+$0x0] =	vst.idx.add.f32.msk $0xffff, v2  }
0x6b: {  	v21 =	vmax.f32 v23, $0.0e+00;
	v13 =	vadd.f32 v13, v4;
	v20 =	vcvt.f32.s32 v20  }
0x6c: {  	v9 =	vshll.u32 v9, $0xB;
	v10 =	vmax.f32 v10, $0.0e+00;
	v19 =	vmax.f32 v19, $0.0e+00  }
0x6d: {  	v10 =	vmin.f32 v10, $9.000000000e+00;
	v19 =	vmin.f32 v19, $9.000000000e+00;
	v13 =	vmax.f32 v13, $0.0e+00;
	[tilespmem:v17+s15+$0x0] =	vst.idx.add.f32.msk $0xffff, v2  }
0x6e: {  	v16 =	vcvt.f32.s32 v16;
	v17 =	vtrunc.f32 v10;
	v10 =	vmin.f32 v13, $9.000000000e+00;
	[tilespmem:v31+s15+$0x0] =	vst.idx.add.f32.msk $0xffff, v2  }
0x6f: {  	v22 =	vadd.s32 v3, v9;
	v9 =	vshll.u32 v20, $0xB;
	v13 =	vtrunc.f32 v10  }
.Ltmp3:
0x70: {  	v10 =	vadd.s32 v3, v9;
	v9 =	vtrunc.f32 v19;
	v19 =	vcvt.f32.s32 v13;
	(pc) =	sbr.rel @p0 .LBB2_5-.Ltmp3, $4  }
0x71: {  	v18 =	vmax.f32 v18, $0.0e+00;
	v16 =	vshll.u32 v16, $0xB;
	v17 =	vcvt.f32.s32 v17  }
0x72: {  	v13 =	vcvt.f32.s32 v9;
	v9 =	vmin.f32 v18, $9.000000000e+00;
	v18 =	vshll.u32 v19, $0xB  }
0x73: {  	s21 =	sadd.s32 $0x1, s21;
	v19 =	vshll.u32 v17, $0xB;
	v17 =	vtrunc.f32 v9;
	v9 =	vadd.s32 v3, v18  }
0x74: {  	s22 =	sadd.s32 $0x10, s22;
	s20 =	sadd.s32 $0x80, s20;
	v14 =	vadd.f32 v14, v4;
	s26 =	smov.u32 s23;
	v18 =	vcvt.f32.s32 v17;
	v17 =	vmin.f32 v21, $9.000000000e+00;
	[tilespmem:v22+s15+$0x0] =	vst.idx.add.f32.msk $0xffff, v2  }
0x75: {  	v13 =	vshll.u32 v13, $0xB;
	v19 =	vadd.s32 v3, v19  }
0x76: {  	v7 =	vadd.f32 v7, v4;
	v15 =	vmin.f32 v15, $9.000000000e+00;
	v16 =	vadd.s32 v3, v16  }
0x77: {  	v12 =	vmax.f32 v12, $0.0e+00;
	v17 =	vtrunc.f32 v17;
	v15 =	vtrunc.f32 v15  }
0x78: {  	v6 =	vmax.f32 v6, $0.0e+00;
	v11 =	vmin.f32 v11, $9.000000000e+00;
	v15 =	vcvt.f32.s32 v15  }
0x79: {  	v4 =	vadd.f32 v8, v4;
	v5 =	vmax.f32 v5, $0.0e+00;
	v18 =	vshll.u32 v18, $0xB  }
0x7a: {  	v14 =	vmax.f32 v14, $0.0e+00;
	v13 =	vadd.s32 v3, v13;
	v15 =	vshll.u32 v15, $0xB  }
0x7b: {  	v12 =	vmin.f32 v12, $9.000000000e+00;
	v17 =	vcvt.f32.s32 v17;
	v15 =	vadd.s32 v3, v15  }
0x7c: {  	v6 =	vmin.f32 v6, $9.000000000e+00;
	v11 =	vtrunc.f32 v11;
	v5 =	vmin.f32 v5, $9.000000000e+00  }
0x7d: {  	v18 =	vadd.s32 v3, v18;
	v14 =	vmin.f32 v14, $9.000000000e+00;
	v12 =	vtrunc.f32 v12  }
0x7e: {  	v7 =	vmax.f32 v7, $0.0e+00;
	v6 =	vtrunc.f32 v6;
	v5 =	vtrunc.f32 v5  }
0x7f: {  	v14 =	vtrunc.f32 v14;
	v7 =	vmin.f32 v7, $9.000000000e+00;
	v12 =	vcvt.f32.s32 v12  }
0x80: {  	v4 =	vmax.f32 v4, $0.0e+00;
	v14 =	vcvt.f32.s32 v14;
	v7 =	vtrunc.f32 v7;
	[tilespmem:v15+s15+$0x0] =	vst.idx.add.f32.msk $0xffff, v2  }
0x81: {  	v6 =	vcvt.f32.s32 v6;
	v8 =	vshll.u32 v17, $0xB;
	v7 =	vcvt.f32.s32 v7;
	[tilespmem:v10+s15+$0x0] =	vst.idx.add.f32.msk $0xffff, v2  }
0x82: {  	v4 =	vmin.f32 v4, $9.000000000e+00;
	v8 =	vadd.s32 v3, v8;
	v14 =	vshll.u32 v14, $0xB;
	[tilespmem:v16+s15+$0x0] =	vst.idx.add.f32.msk $0xffff, v2  }
0x83: {  	v5 =	vcvt.f32.s32 v5;
	v14 =	vadd.s32 v3, v14;
	v7 =	vshll.u32 v7, $0xB;
	[tilespmem:v13+s15+$0x0] =	vst.idx.add.f32.msk $0xffff, v2  }
0x84: {  	v12 =	vshll.u32 v12, $0xB;
	v7 =	vadd.s32 v3, v7;
	v10 =	vcvt.f32.s32 v11;
	[tilespmem:v19+s15+$0x0] =	vst.idx.add.f32.msk $0xffff, v2  }
0x85: {  	v4 =	vtrunc.f32 v4;
	v6 =	vshll.u32 v6, $0xB;
	v12 =	vadd.s32 v3, v12;
	[tilespmem:v18+s15+$0x0] =	vst.idx.add.f32.msk $0xffff, v2  }
0x86: {  	v4 =	vcvt.f32.s32 v4;
	v6 =	vadd.s32 v3, v6;
	v10 =	vshll.u32 v10, $0xB;
	[tilespmem:v9+s15+$0x0] =	vst.idx.add.f32.msk $0xffff, v2  }
0x87: {  	v5 =	vshll.u32 v5, $0xB;
	v9 =	vadd.s32 v3, v10;
	[tilespmem:v8+s15+$0x0] =	vst.idx.add.f32.msk $0xffff, v2  }
0x88: {  	v5 =	vadd.s32 v3, v5;
	v4 =	vshll.u32 v4, $0xB;
	[tilespmem:v14+s15+$0x0] =	vst.idx.add.f32.msk $0xffff, v2  }
0x89: {  	v3 =	vadd.s32 v3, v4;
	[tilespmem:v7+s15+$0x0] =	vst.idx.add.f32.msk $0xffff, v2  }
0x8a: {  	[tilespmem:v12+s15+$0x0] =	vst.idx.add.f32.msk $0xffff, v2  }
0x8b: {  	s20 =	sshll.u32 s19, $0x5;
	p0 =	seq.s32 s19, $0x9;
	[tilespmem:v6+s15+$0x0] =	vst.idx.add.f32.msk $0xffff, v2  }
0x8c: {  	s21 =	sadd.s32 @!p0 s20, s7;
	[tilespmem:v9+s15+$0x0] =	vst.idx.add.f32.msk $0xffff, v2  }
0x8d: {  	s21 =	sshll.u32 @!p0 s21, $0x8;
	[tilespmem:v5+s15+$0x0] =	vst.idx.add.f32.msk $0xffff, v2  }
0x8e: {  	s22 =	simm.s32 @!p0 $0x0;
	s21 =	sadd.s32 @!p0 s1, s21;
	[tilespmem:v3+s15+$0x0] =	vst.idx.add.f32.msk $0xffff, v2  }
0x8f: {  	[tilespmem:s22], [sflag:$0x1] =	stream.linear.gather @!p0 [hbm4b:s21+s22], $0x8000, $0x38;
	[tilespmem:$0x16000] =	vst v63  }
0x90: {  	_ =	swait.ge [sflag:s16], $0x8000  }
0x91: {  	s31 =	simm.s32 $0x0;
	s25 =	simm.s32 $0x10000;
	[sflag:s16] =	ssyncset.done $0x0  }
0x92: {  	s23 =	sand.u32 $0x70, s31;
	s24 =	sand.u32 $0x3C00, s31;
	[sflag:s16] =	ssyncadd.s32 $0xFFFF8000  }
0x93: {  	s26 =	sor.u32 s23, s24;
	v9 =	vld [tilespmem:s25+$0x0]  }
0x94: {  	v3 =	vld [tilespmem:s26+$0xC300]  }
0x95: {  	v5 =	vld [tilespmem:s26+$0xC200]  }
0x96: {  	v6 =	vld [tilespmem:s26+$0xC000]  }
0x97: {  	v7 =	vld [tilespmem:s26+$0xC280]  }
0x98: {  	v10 =	vld [tilespmem:s26+$0xC080]  }
0x99: {  	v11 =	vld [tilespmem:s26+$0x8200]  }
0x9a: {  	v12 =	vld [tilespmem:s26+$0xC100]  }
0x9b: {  	v14 =	vld [tilespmem:s26+$0x8100]  }
0x9c: {  	s29 =	sand.u32 $0x7F0, s31;
	v15 =	vld [tilespmem:s26+$0x8000]  }
0x9d: {  	v4 =	vld [tilespmem:s29+$0x10800];
	v16 =	vmul.f32 v3, v9  }
0x9e: {  	v13 =	vld [tilespmem:s26+$0x8300];
	v17 =	vmul.f32 v5, v9;
	v5 =	vmul.f32 v7, v9  }
0x9f: {  	v8 =	vld [tilespmem:s26+$0xC180];
	v20 =	vmul.f32 v10, v9;
	v7 =	vmul.f32 v12, v9  }
0xa0: {  	v3 =	vld [tilespmem:s26+$0x8180];
	v6 =	vmul.f32 v6, v9;
	v12 =	vmul.f32 v14, v9  }
0xa1: {  	v10 =	vmul.f32 v11, v9;
	v11 =	vld [tilespmem:s26+$0x8080];
	v14 =	vmul.f32 v15, v9  }
0xa2: {  	v15 =	vld [tilespmem:s26+$0x8280];
	v19 =	vadd.f32 v6, v4;
	v6 =	vadd.f32 v12, v4  }
0xa3: {  	s30 =	sand.u32 $0x7, s31;
	v13 =	vmul.f32 v13, v9;
	v21 =	vadd.f32 v5, v4;
	v12 =	vadd.f32 v14, v4  }
0xa4: {  	s23 =	sshll.u32 s30, $0x4;
	v8 =	vmul.f32 v8, v9;
	v5 =	vadd.f32 v16, v4;
	v10 =	vadd.f32 v10, v4  }
0xa5: {  	s23 =	sadd.s32 $0x0, s23;
	v14 =	vld [tilespmem:s26+$0xC380];
	v13 =	vadd.f32 v13, v4;
	v16 =	vmax.f32 v6, $0.0e+00;
	v18 =	vmul.f32 v3, v9  }
0xa6: {  	v6 =	vadd.f32 v17, v4;
	v10 =	vmax.f32 v10, $0.0e+00;
	v3 =	vor.u32 s31, v1;
	s31 =	sor.u32 $0x380, s23  }
0xa7: {  	v11 =	vmul.f32 v11, v9;
	v15 =	vmul.f32 v15, v9;
	v22 =	vld [tilespmem:s31+$0x8000];
	v18 =	vadd.f32 v18, v4  }
0xa8: {  	v12 =	vmax.f32 v12, $0.0e+00;
	v62 =	vmax.f32 v19, $0.0e+00;
	v19 =	vmin.f32 v10, $9.000000000e+00  }
0xa9: {  	v11 =	vadd.f32 v11, v4;
	v23 =	vadd.f32 v15, v4;
	v17 =	vmax.f32 v18, $0.0e+00  }
0xaa: {  	v18 =	vmin.f32 v12, $9.000000000e+00;
	v12 =	vadd.f32 v8, v4;
	v8 =	vmul.f32 v14, v9  }
0xab: {  	v15 =	vmax.f32 v11, $0.0e+00;
	v11 =	vmin.f32 v16, $9.000000000e+00;
	v14 =	vtrunc.f32 v18  }
0xac: {  	v17 =	vmin.f32 v17, $9.000000000e+00;
	v16 =	vtrunc.f32 v11;
	v9 =	vmul.f32 v22, v9  }
0xad: {  	v18 =	vmax.f32 v23, $0.0e+00;
	v17 =	vtrunc.f32 v17;
	v14 =	vcvt.f32.s32 v14  }
0xae: {  	v16 =	vcvt.f32.s32 v16;
	v10 =	vmin.f32 v18, $9.000000000e+00;
	v9 =	vadd.f32 v9, v4  }
0xaf: {  	v11 =	vmax.f32 v21, $0.0e+00;
	v17 =	vcvt.f32.s32 v17;
	v18 =	vtrunc.f32 v10  }
0xb0: {  	v14 =	vshll.u32 v14, $0xB;
	v10 =	vshll.u32 v16, $0xB;
	v9 =	vmax.f32 v9, $0.0e+00  }
0xb1: {  	v63 =	vadd.s32 v3, v14;
	v10 =	vadd.s32 v3, v10;
	v9 =	vmin.f32 v9, $9.000000000e+00  }
0xb2: {  	v16 =	vshll.u32 v17, $0xB;
	v17 =	vcvt.f32.s32 v18;
	v9 =	vtrunc.f32 v9  }
0xb3: {  	v14 =	vtrunc.f32 v19;
	v18 =	vmax.f32 v13, $0.0e+00;
	v9 =	vcvt.f32.s32 v9  }
0xb4: {  	v13 =	vcvt.f32.s32 v14;
	v14 =	vmin.f32 v18, $9.000000000e+00;
	v19 =	vshll.u32 v17, $0xB  }
0xb5: {  	s28 =	simm.s32 $0x10;
	v14 =	vtrunc.f32 v14;
	v17 =	vmin.f32 v62, $9.000000000e+00;
	v9 =	vshll.u32 v9, $0xB  }
0xb6: {  	s21 =	simm.s32 $0x80;
	s22 =	simm.s32 $0x1;
	s23 =	simm.s32 $0x10010;
	v18 =	vcvt.f32.s32 v14;
	v14 =	vadd.f32 v20, v4;
	[tilespmem:v63+s15+$0x0] =	vst.idx.add.f32.msk $0xffff, v2;
	v9 =	vadd.s32 v3, v9  }
.LBB2_7:
0xb7: {  	s24 =	sand.u32 $0x7, s22  }
0xb8: {  	s26 =	sand.u32 $0x70, s28;
	s29 =	sand.u32 $0x3C00, s21;
	v20 =	vshll.u32 v13, $0xB;
	v19 =	vadd.s32 v3, v19;
	v7 =	vadd.f32 v7, v4;
	s25 =	smov.u32 s28  }
0xb9: {  	v15 =	vmin.f32 v15, $9.000000000e+00;
	s30 =	sshll.u32 s24, $0x4;
	v13 =	vld [tilespmem:s23+$0x0];
	s26 =	sor.u32 s26, s29;
	s24 =	sadd.s32 $0x10, s28;
	v18 =	vshll.u32 v18, $0xB;
	v14 =	vmax.f32 v14, $0.0e+00  }
0xba: {  	p1 =	sne.s32 s28, $0x7F0;
	v16 =	vadd.s32 v3, v16;
	s29 =	sadd.s32 s30, s21;
	v21 =	vld [tilespmem:s26+$0xC300];
	v18 =	vadd.s32 v3, v18;
	v14 =	vmin.f32 v14, $9.000000000e+00  }
0xbb: {  	v20 =	vadd.s32 v3, v20;
	s30 =	sand.u32 $0x7F0, s25;
	v7 =	vmax.f32 v7, $0.0e+00;
	s28 =	sor.u32 $0x380, s29;
	v22 =	vld [tilespmem:s26+$0xC200];
	v14 =	vtrunc.f32 v14  }
0xbc: {  	v17 =	vtrunc.f32 v17;
	v7 =	vmin.f32 v7, $9.000000000e+00;
	v23 =	vld [tilespmem:s26+$0xC000];
	v14 =	vcvt.f32.s32 v14  }
0xbd: {  	v12 =	vmax.f32 v12, $0.0e+00;
	v15 =	vtrunc.f32 v15;
	v7 =	vtrunc.f32 v7;
	v24 =	vld [tilespmem:s26+$0xC280]  }
0xbe: {  	v12 =	vmin.f32 v12, $9.000000000e+00;
	v15 =	vcvt.f32.s32 v15;
	v25 =	vld [tilespmem:s26+$0xC180];
	v14 =	vshll.u32 v14, $0xB  }
0xbf: {  	v12 =	vtrunc.f32 v12;
	v26 =	vld [tilespmem:s26+$0xC080];
	v21 =	vmul.f32 v21, v13;
	v27 =	vadd.s32 v3, v14  }
0xc0: {  	v14 =	vshll.u32 v15, $0xB;
	v15 =	vcvt.f32.s32 v7;
	v28 =	vld [tilespmem:s26+$0x8200];
	v22 =	vmul.f32 v22, v13  }
0xc1: {  	v6 =	vmax.f32 v6, $0.0e+00;
	v17 =	vcvt.f32.s32 v17;
	v12 =	vcvt.f32.s32 v12;
	v7 =	vld [tilespmem:s26+$0xC100]  }
0xc2: {  	v11 =	vmin.f32 v11, $9.000000000e+00;
	v6 =	vmin.f32 v6, $9.000000000e+00;
	v30 =	vadd.s32 v3, v14;
	v29 =	vld [tilespmem:s26+$0x8300]  }
0xc3: {  	v11 =	vtrunc.f32 v11;
	v6 =	vtrunc.f32 v6;
	v12 =	vshll.u32 v12, $0xB;
	v31 =	vld [tilespmem:s26+$0x8100]  }
0xc4: {  	v11 =	vcvt.f32.s32 v11;
	v6 =	vcvt.f32.s32 v6;
	v33 =	vadd.s32 v3, v12;
	v32 =	vld [tilespmem:s26+$0x8000]  }
0xc5: {  	v5 =	vmax.f32 v5, $0.0e+00;
	v8 =	vadd.f32 v8, v4;
	v12 =	vmul.f32 v24, v13  }
0xc6: {  	v5 =	vmin.f32 v5, $9.000000000e+00;
	v11 =	vshll.u32 v11, $0xB;
	v6 =	vshll.u32 v6, $0xB;
	v4 =	vld [tilespmem:s30+$0x10800]  }
0xc7: {  	v8 =	vmax.f32 v8, $0.0e+00;
	v14 =	vmul.f32 v26, v13;
	v7 =	vmul.f32 v7, v13;
	[tilespmem:v30+s15+$0x0] =	vst.idx.add.f32.msk $0xffff, v2  }
0xc8: {  	v8 =	vmin.f32 v8, $9.000000000e+00;
	v25 =	vmul.f32 v25, v13;
	v26 =	vmul.f32 v28, v13;
	v24 =	vld [tilespmem:s26+$0x8180]  }
0xc9: {  	v17 =	vshll.u32 v17, $0xB;
	v8 =	vtrunc.f32 v8;
	v23 =	vmul.f32 v23, v13;
	[tilespmem:v10+s15+$0x0] =	vst.idx.add.f32.msk $0xffff, v2  }
0xca: {  	v8 =	vcvt.f32.s32 v8;
	v30 =	vadd.s32 v3, v11;
	v10 =	vmul.f32 v32, v13;
	v28 =	vld [tilespmem:s26+$0x8280]  }
0xcb: {  	v5 =	vtrunc.f32 v5;
	v11 =	vshll.u32 v15, $0xB;
	v32 =	vadd.s32 v3, v6;
	[tilespmem:v16+s15+$0x0] =	vst.idx.add.f32.msk $0xffff, v2  }
0xcc: {  	v11 =	vadd.s32 v3, v11;
	v6 =	vcvt.f32.s32 v5;
	v5 =	vshll.u32 v8, $0xB;
	v15 =	vld [tilespmem:s26+$0x8080]  }
0xcd: {  	v8 =	vmul.f32 v31, v13;
	v31 =	vadd.s32 v3, v5;
	v16 =	vmul.f32 v29, v13;
	v29 =	vld [tilespmem:s26+$0xC380]  }
0xce: {  	v17 =	vadd.s32 v3, v17;
	v23 =	vadd.f32 v23, v4;
	v24 =	vmul.f32 v24, v13;
	v34 =	vld [tilespmem:s28+$0x8000]  }
0xcf: {  	v35 =	vor.u32 s25, v1;
	v8 =	vadd.f32 v8, v4;
	v36 =	vadd.f32 v12, v4;
	[tilespmem:v20+s15+$0x0] =	vst.idx.add.f32.msk $0xffff, v2  }
0xd0: {  	v10 =	vadd.f32 v10, v4;
	v5 =	vadd.f32 v21, v4;
	v20 =	vshll.u32 v6, $0xB;
	[tilespmem:v19+s15+$0x0] =	vst.idx.add.f32.msk $0xffff, v2  }
0xd1: {  	v6 =	vadd.f32 v22, v4;
	v19 =	vmax.f32 v8, $0.0e+00;
	v8 =	vadd.f32 v24, v4;
	[tilespmem:v18+s15+$0x0] =	vst.idx.add.f32.msk $0xffff, v2  }
0xd2: {  	v10 =	vmax.f32 v10, $0.0e+00;
	v12 =	vmul.f32 v15, v13;
	v18 =	vadd.f32 v16, v4;
	[tilespmem:v9+s15+$0x0] =	vst.idx.add.f32.msk $0xffff, v2  }
0xd3: {  	v9 =	vmin.f32 v10, $9.000000000e+00;
	v8 =	vmax.f32 v8, $0.0e+00;
	v10 =	vmul.f32 v28, v13;
	[tilespmem:v17+s15+$0x0] =	vst.idx.add.f32.msk $0xffff, v2  }
0xd4: {  	v15 =	vadd.f32 v12, v4;
	v8 =	vmin.f32 v8, $9.000000000e+00;
	v12 =	vadd.f32 v25, v4;
	[tilespmem:v27+s15+$0x0] =	vst.idx.add.f32.msk $0xffff, v2  }
0xd5: {  	v16 =	vtrunc.f32 v8;
	v10 =	vadd.f32 v10, v4;
	v8 =	vmul.f32 v29, v13;
	[tilespmem:v11+s15+$0x0] =	vst.idx.add.f32.msk $0xffff, v2  }
0xd6: {  	v9 =	vtrunc.f32 v9;
	v17 =	vadd.s32 v3, v20;
	v3 =	vmovc v35;
	v15 =	vmax.f32 v15, $0.0e+00;
	[tilespmem:v33+s15+$0x0] =	vst.idx.add.f32.msk $0xffff, v2  }
0xd7: {  	v13 =	vmul.f32 v34, v13;
	v11 =	vmin.f32 v19, $9.000000000e+00;
	v19 =	vadd.f32 v26, v4;
	[tilespmem:v32+s15+$0x0] =	vst.idx.add.f32.msk $0xffff, v2  }
0xd8: {  	v9 =	vcvt.f32.s32 v9;
	v20 =	vtrunc.f32 v11;
	v11 =	vmax.f32 v36, $0.0e+00;
	[tilespmem:v30+s15+$0x0] =	vst.idx.add.f32.msk $0xffff, v2  }
0xd9: {  	v21 =	vmax.f32 v23, $0.0e+00;
	v13 =	vadd.f32 v13, v4;
	v20 =	vcvt.f32.s32 v20  }
0xda: {  	v9 =	vshll.u32 v9, $0xB;
	v10 =	vmax.f32 v10, $0.0e+00;
	v19 =	vmax.f32 v19, $0.0e+00  }
0xdb: {  	v10 =	vmin.f32 v10, $9.000000000e+00;
	v19 =	vmin.f32 v19, $9.000000000e+00;
	v13 =	vmax.f32 v13, $0.0e+00;
	[tilespmem:v17+s15+$0x0] =	vst.idx.add.f32.msk $0xffff, v2  }
0xdc: {  	v16 =	vcvt.f32.s32 v16;
	v17 =	vtrunc.f32 v10;
	v10 =	vmin.f32 v13, $9.000000000e+00;
	[tilespmem:v31+s15+$0x0] =	vst.idx.add.f32.msk $0xffff, v2  }
0xdd: {  	v22 =	vadd.s32 v3, v9;
	v9 =	vshll.u32 v20, $0xB;
	v13 =	vtrunc.f32 v10  }
.Ltmp4:
0xde: {  	v10 =	vadd.s32 v3, v9;
	v9 =	vtrunc.f32 v19;
	v19 =	vcvt.f32.s32 v13;
	(pc) =	sbr.rel @p1 .LBB2_7-.Ltmp4, $4  }
0xdf: {  	v18 =	vmax.f32 v18, $0.0e+00;
	v16 =	vshll.u32 v16, $0xB;
	v17 =	vcvt.f32.s32 v17  }
0xe0: {  	v13 =	vcvt.f32.s32 v9;
	v9 =	vmin.f32 v18, $9.000000000e+00;
	v18 =	vshll.u32 v19, $0xB  }
0xe1: {  	s22 =	sadd.s32 $0x1, s22;
	v19 =	vshll.u32 v17, $0xB;
	v17 =	vtrunc.f32 v9;
	v9 =	vadd.s32 v3, v18  }
0xe2: {  	s23 =	sadd.s32 $0x10, s23;
	s21 =	sadd.s32 $0x80, s21;
	v14 =	vadd.f32 v14, v4;
	s28 =	smov.u32 s24;
	v18 =	vcvt.f32.s32 v17;
	v17 =	vmin.f32 v21, $9.000000000e+00;
	[tilespmem:v22+s15+$0x0] =	vst.idx.add.f32.msk $0xffff, v2  }
0xe3: {  	v13 =	vshll.u32 v13, $0xB;
	v19 =	vadd.s32 v3, v19  }
0xe4: {  	v7 =	vadd.f32 v7, v4;
	v15 =	vmin.f32 v15, $9.000000000e+00;
	v16 =	vadd.s32 v3, v16  }
0xe5: {  	v12 =	vmax.f32 v12, $0.0e+00;
	v17 =	vtrunc.f32 v17;
	v15 =	vtrunc.f32 v15  }
0xe6: {  	v6 =	vmax.f32 v6, $0.0e+00;
	v11 =	vmin.f32 v11, $9.000000000e+00;
	v15 =	vcvt.f32.s32 v15  }
0xe7: {  	v60 =	vadd.f32 v8, v4;
	v5 =	vmax.f32 v5, $0.0e+00;
	v18 =	vshll.u32 v18, $0xB  }
0xe8: {  	v14 =	vmax.f32 v14, $0.0e+00;
	v13 =	vadd.s32 v3, v13;
	v15 =	vshll.u32 v15, $0xB  }
0xe9: {  	v12 =	vmin.f32 v12, $9.000000000e+00;
	v17 =	vcvt.f32.s32 v17;
	v15 =	vadd.s32 v3, v15  }
0xea: {  	v6 =	vmin.f32 v6, $9.000000000e+00;
	v11 =	vtrunc.f32 v11;
	v5 =	vmin.f32 v5, $9.000000000e+00  }
0xeb: {  	v18 =	vadd.s32 v3, v18;
	v14 =	vmin.f32 v14, $9.000000000e+00;
	v12 =	vtrunc.f32 v12  }
0xec: {  	v7 =	vmax.f32 v7, $0.0e+00;
	v6 =	vtrunc.f32 v6;
	v62 =	vcvt.f32.s32 v11  }
0xed: {  	v5 =	vtrunc.f32 v5;
	v14 =	vtrunc.f32 v14;
	v7 =	vmin.f32 v7, $9.000000000e+00  }
0xee: {  	v4 =	vmax.f32 v60, $0.0e+00;
	v14 =	vcvt.f32.s32 v14;
	v7 =	vtrunc.f32 v7;
	[tilespmem:v15+s15+$0x0] =	vst.idx.add.f32.msk $0xffff, v2  }
0xef: {  	v12 =	vcvt.f32.s32 v12;
	v61 =	vshll.u32 v17, $0xB;
	v7 =	vcvt.f32.s32 v7;
	[tilespmem:v10+s15+$0x0] =	vst.idx.add.f32.msk $0xffff, v2  }
0xf0: {  	v6 =	vcvt.f32.s32 v6;
	v8 =	vadd.s32 v3, v61;
	v14 =	vshll.u32 v14, $0xB;
	[tilespmem:v16+s15+$0x0] =	vst.idx.add.f32.msk $0xffff, v2  }
0xf1: {  	v4 =	vmin.f32 v4, $9.000000000e+00;
	v14 =	vadd.s32 v3, v14;
	v7 =	vshll.u32 v7, $0xB;
	[tilespmem:v13+s15+$0x0] =	vst.idx.add.f32.msk $0xffff, v2  }
0xf2: {  	v5 =	vcvt.f32.s32 v5;
	v12 =	vshll.u32 v12, $0xB;
	v7 =	vadd.s32 v3, v7;
	[tilespmem:v19+s15+$0x0] =	vst.idx.add.f32.msk $0xffff, v2  }
0xf3: {  	v4 =	vtrunc.f32 v4;
	v6 =	vshll.u32 v6, $0xB;
	v12 =	vadd.s32 v3, v12;
	[tilespmem:v18+s15+$0x0] =	vst.idx.add.f32.msk $0xffff, v2  }
0xf4: {  	v4 =	vcvt.f32.s32 v4;
	v6 =	vadd.s32 v3, v6;
	v10 =	vshll.u32 v62, $0xB;
	[tilespmem:v9+s15+$0x0] =	vst.idx.add.f32.msk $0xffff, v2  }
0xf5: {  	v5 =	vshll.u32 v5, $0xB;
	v63 =	vadd.s32 v3, v10;
	[tilespmem:v8+s15+$0x0] =	vst.idx.add.f32.msk $0xffff, v2  }
0xf6: {  	v5 =	vadd.s32 v3, v5;
	v4 =	vshll.u32 v4, $0xB;
	[tilespmem:v14+s15+$0x0] =	vst.idx.add.f32.msk $0xffff, v2  }
0xf7: {  	v3 =	vadd.s32 v3, v4;
	[tilespmem:v7+s15+$0x0] =	vst.idx.add.f32.msk $0xffff, v2  }
.Ltmp5:
0xf8: {  	[tilespmem:v12+s15+$0x0] =	vst.idx.add.f32.msk $0xffff, v2;
	(pc) =	sbr.rel @p0 .LBB2_10-.Ltmp5, $4  }
0xf9: {  	[tilespmem:v6+s15+$0x0] =	vst.idx.add.f32.msk $0xffff, v2  }
0xfa: {  	[tilespmem:v63+s15+$0x0] =	vst.idx.add.f32.msk $0xffff, v2  }
0xfb: {  	[tilespmem:v5+s15+$0x0] =	vst.idx.add.f32.msk $0xffff, v2  }
0xfc: {  	[tilespmem:v3+s15+$0x0] =	vst.idx.add.f32.msk $0xffff, v2  }
.Ltmp6:
0xfd: {  	(pc) =	sbr.rel .LBB2_4-.Ltmp6, $4  }
0xfe: {  	s20 =	sadd.s32 s20, s8  }
0xff: {  	s20 =	sshll.u32 s20, $0x8  }
0x100: {  	s19 =	sadd.s32 $0x1, s19;
	s20 =	sadd.s32 s1, s20  }
0x101: {  	[tilespmem:s11], [sflag:$0x2] =	stream.linear.gather [hbm4b:s20+s4], $0x8000, $0x38;
	[tilespmem:$0x16000] =	vst v63  }
.LBB2_11:
0x102: {  	_ =	sfence.sel $0x180000  }
0x103: {  	[bflag:$0x0] =	sbarrier.arrive $0xFFFF  }
0x104: {  	p0 =	sne.s32 s0, $0x0;
	_ =	strace $0x90000047  }
0x105: {  	s0 =	sadd.s32 @!p0 $0x100000, s2;
	[bflag:$0x2] =	sbarrier.arrive $0xFFFF  }
0x106: {  	[sflag:s0] =	ssyncadd.tile.s32 @!p0 $0x1;
	_ =	shalt  }
.Lfunc_end2:
_tile_overlayer_lowered:
.L_overlay_start_2:
0x107: {  	(tag) =	ssettag $0x2  }
0x108: {  	s0 =	rddreg [dreg:$0x0];
	s2 =	stileid.u32  }
0x109: {  	s1 =	rddreg [dreg:$0x1];
	p0 =	sne.s32 s2, $0x0  }
0x10a: {  	s3 =	rddreg [dreg:$0x2];
	[bflag:$0x3] =	sbarrier.arrive $0xFFFF;
	s2 =	simm.s32 @!p0 $0x1C03  }
0x10b: {  	[timem:s3], [sflag:s2] =	dma.local @!p0 [hbm:s0], s1  }
0x10c: {  	s0 =	simm.s32 @!p0 $0x3  }
0x10d: {  	_ =	swait.ge @!p0 [sflag:s0], s1  }
0x10e: {  	s1 =	ssub.s32 @!p0 $0x0, s1;
	[sflag:s0] =	ssyncset.done @!p0 $0x0  }
0x10f: {  	[sflag:s0] =	ssyncadd.s32 @!p0 s1  }
0x110: {  	[bflag:$0x3] =	sbarrier.arrive $0xFFFF  }
0x111: {  	_ =	shalt  }

</sc_bundles>
